<compile_context>
chip_gen: v7x
topology: tpu7x:2x2x1
jax: 0.10.2.dev20260603
libtpu: 0.0.44.dev20260713+nightly
codegen_flags: <defaults>
</compile_context>

<pallas_src>
import jax
import jax.numpy as jnp
from jax import lax
from jax.experimental import pallas as pl
from jax.experimental.pallas import tpu as pltpu
from jax.experimental.pallas import tpu_sc as plsc

UNITS, NEURONS, IN_DIM, OUT_DIM, BATCH = 16, 512, 256, 256, 32
_L = 16


def _lr_sc_body2(x_hbm, alr_hbm, out_hbm, xv, av, ov):
    s_id = lax.axis_index("s")
    pltpu.sync_copy(x_hbm.at[pl.ds(s_id * 2, 2)], xv)
    pltpu.sync_copy(alr_hbm, av)
    lanes = lax.iota(jnp.int32, _L)
    for r in range(2):
        def unit_logit(h, logits):
            base = h * IN_DIM
            part = jnp.zeros((_L,), jnp.float32)
            for j in range(IN_DIM // _L):
                sl = pl.ds(base + j * _L, _L)
                part = part + xv[r, sl] * av[sl]
            return jnp.where(lanes == h, jnp.sum(part), logits)

        logits = lax.fori_loop(0, UNITS, unit_logit,
                               jnp.zeros((_L,), jnp.float32))
        m = jnp.max(logits)
        e = jnp.exp(logits - m)
        ov[r, :] = e / jnp.sum(e)
    pltpu.sync_copy(ov, out_hbm.at[pl.ds(s_id * 2, 2)])


def _lr_sparsecore(X, adaptive_lr, temperature):
    x_flat = X.reshape(BATCH, UNITS * IN_DIM)
    alr_flat = (adaptive_lr[:, :, 0] / temperature[0]).reshape(UNITS * IN_DIM)
    mesh = plsc.VectorSubcoreMesh(core_axis_name="c", subcore_axis_name="s",
                                  num_cores=1)
    run = pl.kernel(
        _lr_sc_body2,
        out_type=jax.ShapeDtypeStruct((BATCH, UNITS), jnp.float32),
        mesh=mesh,
        scratch_types=[
            pltpu.VMEM((2, UNITS * IN_DIM), jnp.float32),
            pltpu.VMEM((UNITS * IN_DIM,), jnp.float32),
            pltpu.VMEM((2, UNITS), jnp.float32),
        ],
        compiler_params=pltpu.CompilerParams(needs_layout_passes=False),
    )
    return run(x_flat, alr_flat)


def _unit_body(x_ref, s_ref, w_ref, win_ref, b_ref, wout_ref, sr_ref, lr_ref,
               ns_ref, out_ref):
    x = x_ref[...]
    s = s_ref[...]
    feed = jnp.dot(x, win_ref[0], preferred_element_type=jnp.float32)
    echo = jnp.dot(s, w_ref[0], preferred_element_type=jnp.float32)
    echo = echo * sr_ref[0, 0, 0] + b_ref[0]
    lr = lr_ref[0]
    ns = (1.0 - lr) * s + lr * jnp.tanh(feed + echo)
    ns_ref[...] = ns
    out_ref[...] = jnp.dot(ns, wout_ref[0], preferred_element_type=jnp.float32)


def _units_tensorcore(Xf, Sf, W, Win, bias, Wout, sr, lrU):
    unit3 = lambda h: (h, 0, 0)
    col = lambda h: (0, h)
    return pl.pallas_call(
        _unit_body,
        grid=(UNITS,),
        in_specs=[
            pl.BlockSpec((BATCH, IN_DIM), col),
            pl.BlockSpec((BATCH, NEURONS), col),
            pl.BlockSpec((1, NEURONS, NEURONS), unit3),
            pl.BlockSpec((1, IN_DIM, NEURONS), unit3),
            pl.BlockSpec((1, 1, NEURONS), unit3),
            pl.BlockSpec((1, NEURONS, OUT_DIM), unit3),
            pl.BlockSpec((1, 1, 1), unit3),
            pl.BlockSpec((1, BATCH, 1), unit3),
        ],
        out_specs=[
            pl.BlockSpec((BATCH, NEURONS), col),
            pl.BlockSpec((BATCH, OUT_DIM), col),
        ],
        out_shape=[
            jax.ShapeDtypeStruct((BATCH, UNITS * NEURONS), jnp.float32),
            jax.ShapeDtypeStruct((BATCH, UNITS * OUT_DIM), jnp.float32),
        ],
    )(Xf, Sf, W, Win, bias, Wout, sr, lrU)


def kernel(X, state, W, Win, bias, Wout, sr, adaptive_lr, temperature,
           w_pos, win_pos, xw_pos, xwin_pos):
    lr = _lr_sparsecore(X, adaptive_lr, temperature)
    lrU = jnp.transpose(lr, (1, 0))[:, :, None]
    Xf = X.reshape(BATCH, UNITS * IN_DIM)
    Sf = state.reshape(BATCH, UNITS * NEURONS)
    ns_f, out_f = _units_tensorcore(Xf, Sf, W, Win, bias, Wout, sr, lrU)
    return (ns_f.reshape(BATCH, UNITS, NEURONS),
            out_f.reshape(BATCH, UNITS, OUT_DIM))

# --- scband reference (transcript-rebuilt; emitter-appended) ---
"""Pipeline reference for scband-est-40072044872217 (READ-ONLY COPY).

The authoritative reference and input builder live on the scoring server;
editing this copy changes nothing except your own understanding.
"""

import jax, jax.numpy as jnp
import numpy as np

UNITS, NEURONS, IN_DIM, OUT_DIM = 16, 512, 256, 256
RES_CONN, IN_CONN, BIAS_PROB = 0.2, 0.2, 0.5
BATCH = 32

def _fixed_bernoulli_mask(u, rows, cols, conn, rng):
    nb = max(1, int(conn * rows))
    m = np.zeros((u, rows, cols), np.float32)
    for h in range(u):
        for c in range(cols):
            idx = rng.permutation(rows)[:nb]
            m[h, idx, c] = 1.0
    return m

def setup_inputs(seed: int = 0):
    rng = np.random.default_rng(0)
    W = rng.standard_normal((UNITS, NEURONS, NEURONS)).astype(np.float32)
    W = W * _fixed_bernoulli_mask(UNITS, NEURONS, NEURONS, RES_CONN, rng)
    sr0 = np.array([np.max(np.abs(np.linalg.eigvals(W[h].astype(np.float64)))) for h in range(UNITS)], dtype=np.float32).reshape(UNITS, 1, 1)
    W = W / sr0
    Win = _fixed_bernoulli_mask(UNITS, IN_DIM, NEURONS, IN_CONN, rng)
    bias = (rng.random((UNITS, 1, NEURONS)) < BIAS_PROB).astype(np.float32)
    Wout = rng.standard_normal((UNITS, NEURONS, OUT_DIM)).astype(np.float32)
    adaptive_lr = rng.random((UNITS, IN_DIM, 1)).astype(np.float32)
    sr = rng.random((UNITS, 1, 1)).astype(np.float32)
    temperature = np.ones((1,), np.float32)
    w_pos = np.stack(np.nonzero(np.swapaxes(W, -2, -1))).astype(np.int32)
    win_pos = np.stack(np.nonzero(np.swapaxes(Win, -2, -1))).astype(np.int32)
    xw_pos = np.stack([w_pos[0], np.zeros_like(w_pos[1]), w_pos[2]])
    xwin_pos = np.stack([win_pos[0], np.zeros_like(win_pos[1]), win_pos[2]])
    key = jax.random.key(seed)
    k1, k2 = jax.random.split(key)
    X = jax.random.normal(k1, (BATCH, UNITS, IN_DIM), dtype=jnp.float32)
    state = jax.random.normal(k2, (BATCH, UNITS, NEURONS), dtype=jnp.float32) * 0.1
    return {"X": X, "state": state, "W": jnp.asarray(W), "Win": jnp.asarray(Win), "bias": jnp.asarray(bias), "Wout": jnp.asarray(Wout), "sr": jnp.asarray(sr), "adaptive_lr": jnp.asarray(adaptive_lr), "temperature": jnp.asarray(temperature), "w_pos": jnp.asarray(w_pos), "win_pos": jnp.asarray(win_pos), "xw_pos": jnp.asarray(xw_pos), "xwin_pos": jnp.asarray(xwin_pos)}

def _sparse_mm_subhead(x, Wm, x_pos, w_pos):
    U = Wm.shape[0]
    O = Wm.shape[-1]
    Wt = jnp.swapaxes(Wm, -2, -1)
    subW = Wt[w_pos[0], w_pos[1], w_pos[2]].reshape(U, O, -1)
    subW = jnp.swapaxes(subW, -2, -1)
    subX = x[:, x_pos[0], x_pos[1], x_pos[2]].reshape(x.shape[0], x.shape[1], O, -1)
    subX = jnp.swapaxes(subX, -2, -1)
    res = (subW * subX).sum(-2)
    return res[:, :, None, :]

def reference(X, state, W, Win, bias, Wout, sr, adaptive_lr, temperature, w_pos, win_pos, xw_pos, xwin_pos):
    B = X.shape[0]
    U = W.shape[0]
    N = W.shape[-1]
    D = X.shape[-1]
    X4 = X.reshape(B, U, 1, D)
    S4 = state.reshape(B, U, 1, N)
    lr = jax.nn.softmax(jnp.matmul(X4, adaptive_lr) / temperature, axis=1)
    feed = _sparse_mm_subhead(X4, Win, xwin_pos, win_pos)
    Ws = W * sr
    echo = _sparse_mm_subhead(S4, Ws, xw_pos, w_pos) + bias
    new_state = (1.0 - lr) * S4 + lr * jnp.tanh(feed + echo)
    output = jnp.matmul(new_state, Wout)
    return (new_state.squeeze(2), output.squeeze(2))

if __name__ == "__main__":
    import jax
    _d = setup_inputs()
    print(jax.jit(kernel)(*tuple(_d.values())))

</pallas_src>

<mosaic_0001>
#map = affine_map<(d0, d1) -> (0, 0)>
#map1 = affine_map<(d0, d1) -> (0)>
module attributes {stable_mosaic.version = 14 : i64} {
  func.func @_lr_sc_body2(%arg0: i32, %arg1: i32, %arg2: memref<32x4096xf32, #tpu.memory_space<hbm>>, %arg3: memref<4096xf32, #tpu.memory_space<hbm>>, %arg4: memref<32x16xf32, #tpu.memory_space<hbm>>, %arg5: memref<2x4096xf32, #tpu.memory_space<vmem>>, %arg6: memref<4096xf32, #tpu.memory_space<vmem>>, %arg7: memref<2x16xf32, #tpu.memory_space<vmem>>) attributes {dimension_semantics = [#tpu.dimension_semantics<core_parallel>, #tpu.dimension_semantics<subcore_parallel>], iteration_bounds = array<i64: 1, 16>, scalar_prefetch = 0 : i64, scratch_operands = 3 : i64, tpu.core_type = #tpu.core_type<sc_vector_subcore>, window_params = [{transform_indices = #map}, {transform_indices = #map1}, {transform_indices = #map}]} {
    %mul3A = arith.constant 2 : i32
    %mul3A_0 = arith.muli %arg1, %mul3A : i32
    "tpu.region"() ({
      %run_scoped3A = tpu.sem_alloc : memref<!tpu.dma_semaphore, #tpu.memory_space<semaphore_mem>>
      %dma_start3A = arith.constant 0 : i32
      %dma_start3A_45 = tpu.memref_slice %arg2[%mul3A_0, %dma_start3A] : memref<32x4096xf32, #tpu.memory_space<hbm>> -> memref<2x4096xf32, #tpu.memory_space<hbm>>
      %dma_start3A_46 = arith.constant 0 : i32
      %dma_start3A_47 = tpu.memref_slice %arg2[%mul3A_0, %dma_start3A_46] : memref<32x4096xf32, #tpu.memory_space<hbm>> -> memref<2x4096xf32, #tpu.memory_space<hbm>>
      tpu.enqueue_dma source(%dma_start3A_47 : memref<2x4096xf32, #tpu.memory_space<hbm>>) target(%arg5 : memref<2x4096xf32, #tpu.memory_space<vmem>>) target_semaphore(%run_scoped3A : memref<!tpu.dma_semaphore, #tpu.memory_space<semaphore_mem>>)
      %dma_wait3A = arith.constant 0 : i32
      %dma_wait3A_48 = tpu.memref_slice %arg2[%mul3A_0, %dma_wait3A] : memref<32x4096xf32, #tpu.memory_space<hbm>> -> memref<2x4096xf32, #tpu.memory_space<hbm>>
      %dma_wait3A_49 = arith.constant 0 : i32
      %dma_wait3A_50 = tpu.memref_slice %arg2[%mul3A_0, %dma_wait3A_49] : memref<32x4096xf32, #tpu.memory_space<hbm>> -> memref<2x4096xf32, #tpu.memory_space<hbm>>
      tpu.wait_dma2 semaphore(%run_scoped3A : memref<!tpu.dma_semaphore, #tpu.memory_space<semaphore_mem>>) src(%dma_wait3A_50 : memref<2x4096xf32, #tpu.memory_space<hbm>>) dst(%arg5 : memref<2x4096xf32, #tpu.memory_space<vmem>>)
      tpu.yield
    }) : () -> ()
    "tpu.region"() ({
      %run_scoped3A = tpu.sem_alloc : memref<!tpu.dma_semaphore, #tpu.memory_space<semaphore_mem>>
      tpu.enqueue_dma source(%arg3 : memref<4096xf32, #tpu.memory_space<hbm>>) target(%arg6 : memref<4096xf32, #tpu.memory_space<vmem>>) target_semaphore(%run_scoped3A : memref<!tpu.dma_semaphore, #tpu.memory_space<semaphore_mem>>)
      tpu.wait_dma2 semaphore(%run_scoped3A : memref<!tpu.dma_semaphore, #tpu.memory_space<semaphore_mem>>) src(%arg3 : memref<4096xf32, #tpu.memory_space<hbm>>) dst(%arg6 : memref<4096xf32, #tpu.memory_space<vmem>>)
      tpu.yield
    }) : () -> ()
    %iota3A = tpu.iota {dimensions = array<i32: 0>} : vector<16xi32>
    %broadcast_in_dim3A = arith.constant 0.000000e+00 : f32
    %broadcast_in_dim3A_1 = vector.broadcast %broadcast_in_dim3A : f32 to vector<16xf32>
    %scan3A = arith.constant 0 : i32
    %scan3A_2 = arith.constant 16 : i32
    %scan3A_3 = arith.addi %scan3A, %scan3A_2 : i32
    %scan3A_4 = arith.constant 1 : i32
    %scan3A_5 = scf.for %scan3A_45 = %scan3A to %scan3A_3 step %scan3A_4 iter_args(%scan3A_46 = %broadcast_in_dim3A_1) -> (vector<16xf32>)  : i32 {
      %mul3A_47 = arith.constant 256 : i32
      %mul3A_48 = arith.muli %scan3A_45, %mul3A_47 : i32
      %broadcast_in_dim3A_49 = arith.constant 0.000000e+00 : f32
      %broadcast_in_dim3A_50 = vector.broadcast %broadcast_in_dim3A_49 : f32 to vector<16xf32>
      %add3A = arith.constant 0 : i32
      %add3A_51 = arith.addi %mul3A_48, %add3A : i32
      %get3A = arith.constant 0 : i32
      %get3A_52 = arith.index_cast %get3A : i32 to index
      %get3A_53 = arith.index_cast %add3A_51 : i32 to index
      %get3A_54 = tpu.vector_load %arg5[%get3A_52, %get3A_53] {strides = array<i32>} : memref<2x4096xf32, #tpu.memory_space<vmem>>, vector<16xf32>,
      %get3A_55 = arith.index_cast %add3A_51 : i32 to index
      %get3A_56 = tpu.vector_load %arg6[%get3A_55] {strides = array<i32>} : memref<4096xf32, #tpu.memory_space<vmem>>, vector<16xf32>,
      %mul3A_57 = arith.mulf %get3A_54, %get3A_56 : vector<16xf32>
      %add3A_58 = arith.addf %broadcast_in_dim3A_50, %mul3A_57 : vector<16xf32>
      %add3A_59 = arith.constant 16 : i32
      %add3A_60 = arith.addi %mul3A_48, %add3A_59 : i32
      %get3A_61 = arith.constant 0 : i32
      %get3A_62 = arith.index_cast %get3A_61 : i32 to index
      %get3A_63 = arith.index_cast %add3A_60 : i32 to index
      %get3A_64 = tpu.vector_load %arg5[%get3A_62, %get3A_63] {strides = array<i32>} : memref<2x4096xf32, #tpu.memory_space<vmem>>, vector<16xf32>,
      %get3A_65 = arith.index_cast %add3A_60 : i32 to index
      %get3A_66 = tpu.vector_load %arg6[%get3A_65] {strides = array<i32>} : memref<4096xf32, #tpu.memory_space<vmem>>, vector<16xf32>,
      %mul3A_67 = arith.mulf %get3A_64, %get3A_66 : vector<16xf32>
      %add3A_68 = arith.addf %add3A_58, %mul3A_67 : vector<16xf32>
      %add3A_69 = arith.constant 32 : i32
      %add3A_70 = arith.addi %mul3A_48, %add3A_69 : i32
      %get3A_71 = arith.constant 0 : i32
      %get3A_72 = arith.index_cast %get3A_71 : i32 to index
      %get3A_73 = arith.index_cast %add3A_70 : i32 to index
      %get3A_74 = tpu.vector_load %arg5[%get3A_72, %get3A_73] {strides = array<i32>} : memref<2x4096xf32, #tpu.memory_space<vmem>>, vector<16xf32>,
      %get3A_75 = arith.index_cast %add3A_70 : i32 to index
      %get3A_76 = tpu.vector_load %arg6[%get3A_75] {strides = array<i32>} : memref<4096xf32, #tpu.memory_space<vmem>>, vector<16xf32>,
      %mul3A_77 = arith.mulf %get3A_74, %get3A_76 : vector<16xf32>
      %add3A_78 = arith.addf %add3A_68, %mul3A_77 : vector<16xf32>
      %add3A_79 = arith.constant 48 : i32
      %add3A_80 = arith.addi %mul3A_48, %add3A_79 : i32
      %get3A_81 = arith.constant 0 : i32
      %get3A_82 = arith.index_cast %get3A_81 : i32 to index
      %get3A_83 = arith.index_cast %add3A_80 : i32 to index
      %get3A_84 = tpu.vector_load %arg5[%get3A_82, %get3A_83] {strides = array<i32>} : memref<2x4096xf32, #tpu.memory_space<vmem>>, vector<16xf32>,
      %get3A_85 = arith.index_cast %add3A_80 : i32 to index
      %get3A_86 = tpu.vector_load %arg6[%get3A_85] {strides = array<i32>} : memref<4096xf32, #tpu.memory_space<vmem>>, vector<16xf32>,
      %mul3A_87 = arith.mulf %get3A_84, %get3A_86 : vector<16xf32>
      %add3A_88 = arith.addf %add3A_78, %mul3A_87 : vector<16xf32>
      %add3A_89 = arith.constant 64 : i32
      %add3A_90 = arith.addi %mul3A_48, %add3A_89 : i32
      %get3A_91 = arith.constant 0 : i32
      %get3A_92 = arith.index_cast %get3A_91 : i32 to index
      %get3A_93 = arith.index_cast %add3A_90 : i32 to index
      %get3A_94 = tpu.vector_load %arg5[%get3A_92, %get3A_93] {strides = array<i32>} : memref<2x4096xf32, #tpu.memory_space<vmem>>, vector<16xf32>,
      %get3A_95 = arith.index_cast %add3A_90 : i32 to index
      %get3A_96 = tpu.vector_load %arg6[%get3A_95] {strides = array<i32>} : memref<4096xf32, #tpu.memory_space<vmem>>, vector<16xf32>,
      %mul3A_97 = arith.mulf %get3A_94, %get3A_96 : vector<16xf32>
      %add3A_98 = arith.addf %add3A_88, %mul3A_97 : vector<16xf32>
      %add3A_99 = arith.constant 80 : i32
      %add3A_100 = arith.addi %mul3A_48, %add3A_99 : i32
      %get3A_101 = arith.constant 0 : i32
      %get3A_102 = arith.index_cast %get3A_101 : i32 to index
      %get3A_103 = arith.index_cast %add3A_100 : i32 to index
      %get3A_104 = tpu.vector_load %arg5[%get3A_102, %get3A_103] {strides = array<i32>} : memref<2x4096xf32, #tpu.memory_space<vmem>>, vector<16xf32>,
      %get3A_105 = arith.index_cast %add3A_100 : i32 to index
      %get3A_106 = tpu.vector_load %arg6[%get3A_105] {strides = array<i32>} : memref<4096xf32, #tpu.memory_space<vmem>>, vector<16xf32>,
      %mul3A_107 = arith.mulf %get3A_104, %get3A_106 : vector<16xf32>
      %add3A_108 = arith.addf %add3A_98, %mul3A_107 : vector<16xf32>
      %add3A_109 = arith.constant 96 : i32
      %add3A_110 = arith.addi %mul3A_48, %add3A_109 : i32
      %get3A_111 = arith.constant 0 : i32
      %get3A_112 = arith.index_cast %get3A_111 : i32 to index
      %get3A_113 = arith.index_cast %add3A_110 : i32 to index
      %get3A_114 = tpu.vector_load %arg5[%get3A_112, %get3A_113] {strides = array<i32>} : memref<2x4096xf32, #tpu.memory_space<vmem>>, vector<16xf32>,
      %get3A_115 = arith.index_cast %add3A_110 : i32 to index
      %get3A_116 = tpu.vector_load %arg6[%get3A_115] {strides = array<i32>} : memref<4096xf32, #tpu.memory_space<vmem>>, vector<16xf32>,
      %mul3A_117 = arith.mulf %get3A_114, %get3A_116 : vector<16xf32>
      %add3A_118 = arith.addf %add3A_108, %mul3A_117 : vector<16xf32>
      %add3A_119 = arith.constant 112 : i32
      %add3A_120 = arith.addi %mul3A_48, %add3A_119 : i32
      %get3A_121 = arith.constant 0 : i32
      %get3A_122 = arith.index_cast %get3A_121 : i32 to index
      %get3A_123 = arith.index_cast %add3A_120 : i32 to index
      %get3A_124 = tpu.vector_load %arg5[%get3A_122, %get3A_123] {strides = array<i32>} : memref<2x4096xf32, #tpu.memory_space<vmem>>, vector<16xf32>,
      %get3A_125 = arith.index_cast %add3A_120 : i32 to index
      %get3A_126 = tpu.vector_load %arg6[%get3A_125] {strides = array<i32>} : memref<4096xf32, #tpu.memory_space<vmem>>, vector<16xf32>,
      %mul3A_127 = arith.mulf %get3A_124, %get3A_126 : vector<16xf32>
      %add3A_128 = arith.addf %add3A_118, %mul3A_127 : vector<16xf32>
      %add3A_129 = arith.constant 128 : i32
      %add3A_130 = arith.addi %mul3A_48, %add3A_129 : i32
      %get3A_131 = arith.constant 0 : i32
      %get3A_132 = arith.index_cast %get3A_131 : i32 to index
      %get3A_133 = arith.index_cast %add3A_130 : i32 to index
      %get3A_134 = tpu.vector_load %arg5[%get3A_132, %get3A_133] {strides = array<i32>} : memref<2x4096xf32, #tpu.memory_space<vmem>>, vector<16xf32>,
      %get3A_135 = arith.index_cast %add3A_130 : i32 to index
      %get3A_136 = tpu.vector_load %arg6[%get3A_135] {strides = array<i32>} : memref<4096xf32, #tpu.memory_space<vmem>>, vector<16xf32>,
      %mul3A_137 = arith.mulf %get3A_134, %get3A_136 : vector<16xf32>
      %add3A_138 = arith.addf %add3A_128, %mul3A_137 : vector<16xf32>
      %add3A_139 = arith.constant 144 : i32
      %add3A_140 = arith.addi %mul3A_48, %add3A_139 : i32
      %get3A_141 = arith.constant 0 : i32
      %get3A_142 = arith.index_cast %get3A_141 : i32 to index
      %get3A_143 = arith.index_cast %add3A_140 : i32 to index
      %get3A_144 = tpu.vector_load %arg5[%get3A_142, %get3A_143] {strides = array<i32>} : memref<2x4096xf32, #tpu.memory_space<vmem>>, vector<16xf32>,
      %get3A_145 = arith.index_cast %add3A_140 : i32 to index
      %get3A_146 = tpu.vector_load %arg6[%get3A_145] {strides = array<i32>} : memref<4096xf32, #tpu.memory_space<vmem>>, vector<16xf32>,
      %mul3A_147 = arith.mulf %get3A_144, %get3A_146 : vector<16xf32>
      %add3A_148 = arith.addf %add3A_138, %mul3A_147 : vector<16xf32>
      %add3A_149 = arith.constant 160 : i32
      %add3A_150 = arith.addi %mul3A_48, %add3A_149 : i32
      %get3A_151 = arith.constant 0 : i32
      %get3A_152 = arith.index_cast %get3A_151 : i32 to index
      %get3A_153 = arith.index_cast %add3A_150 : i32 to index
      %get3A_154 = tpu.vector_load %arg5[%get3A_152, %get3A_153] {strides = array<i32>} : memref<2x4096xf32, #tpu.memory_space<vmem>>, vector<16xf32>,
      %get3A_155 = arith.index_cast %add3A_150 : i32 to index
      %get3A_156 = tpu.vector_load %arg6[%get3A_155] {strides = array<i32>} : memref<4096xf32, #tpu.memory_space<vmem>>, vector<16xf32>,
      %mul3A_157 = arith.mulf %get3A_154, %get3A_156 : vector<16xf32>
      %add3A_158 = arith.addf %add3A_148, %mul3A_157 : vector<16xf32>
      %add3A_159 = arith.constant 176 : i32
      %add3A_160 = arith.addi %mul3A_48, %add3A_159 : i32
      %get3A_161 = arith.constant 0 : i32
      %get3A_162 = arith.index_cast %get3A_161 : i32 to index
      %get3A_163 = arith.index_cast %add3A_160 : i32 to index
      %get3A_164 = tpu.vector_load %arg5[%get3A_162, %get3A_163] {strides = array<i32>} : memref<2x4096xf32, #tpu.memory_space<vmem>>, vector<16xf32>,
      %get3A_165 = arith.index_cast %add3A_160 : i32 to index
      %get3A_166 = tpu.vector_load %arg6[%get3A_165] {strides = array<i32>} : memref<4096xf32, #tpu.memory_space<vmem>>, vector<16xf32>,
      %mul3A_167 = arith.mulf %get3A_164, %get3A_166 : vector<16xf32>
      %add3A_168 = arith.addf %add3A_158, %mul3A_167 : vector<16xf32>
      %add3A_169 = arith.constant 192 : i32
      %add3A_170 = arith.addi %mul3A_48, %add3A_169 : i32
      %get3A_171 = arith.constant 0 : i32
      %get3A_172 = arith.index_cast %get3A_171 : i32 to index
      %get3A_173 = arith.index_cast %add3A_170 : i32 to index
      %get3A_174 = tpu.vector_load %arg5[%get3A_172, %get3A_173] {strides = array<i32>} : memref<2x4096xf32, #tpu.memory_space<vmem>>, vector<16xf32>,
      %get3A_175 = arith.index_cast %add3A_170 : i32 to index
      %get3A_176 = tpu.vector_load %arg6[%get3A_175] {strides = array<i32>} : memref<4096xf32, #tpu.memory_space<vmem>>, vector<16xf32>,
      %mul3A_177 = arith.mulf %get3A_174, %get3A_176 : vector<16xf32>
      %add3A_178 = arith.addf %add3A_168, %mul3A_177 : vector<16xf32>
      %add3A_179 = arith.constant 208 : i32
      %add3A_180 = arith.addi %mul3A_48, %add3A_179 : i32
      %get3A_181 = arith.constant 0 : i32
      %get3A_182 = arith.index_cast %get3A_181 : i32 to index
      %get3A_183 = arith.index_cast %add3A_180 : i32 to index
      %get3A_184 = tpu.vector_load %arg5[%get3A_182, %get3A_183] {strides = array<i32>} : memref<2x4096xf32, #tpu.memory_space<vmem>>, vector<16xf32>,
      %get3A_185 = arith.index_cast %add3A_180 : i32 to index
      %get3A_186 = tpu.vector_load %arg6[%get3A_185] {strides = array<i32>} : memref<4096xf32, #tpu.memory_space<vmem>>, vector<16xf32>,
      %mul3A_187 = arith.mulf %get3A_184, %get3A_186 : vector<16xf32>
      %add3A_188 = arith.addf %add3A_178, %mul3A_187 : vector<16xf32>
      %add3A_189 = arith.constant 224 : i32
      %add3A_190 = arith.addi %mul3A_48, %add3A_189 : i32
      %get3A_191 = arith.constant 0 : i32
      %get3A_192 = arith.index_cast %get3A_191 : i32 to index
      %get3A_193 = arith.index_cast %add3A_190 : i32 to index
      %get3A_194 = tpu.vector_load %arg5[%get3A_192, %get3A_193] {strides = array<i32>} : memref<2x4096xf32, #tpu.memory_space<vmem>>, vector<16xf32>,
      %get3A_195 = arith.index_cast %add3A_190 : i32 to index
      %get3A_196 = tpu.vector_load %arg6[%get3A_195] {strides = array<i32>} : memref<4096xf32, #tpu.memory_space<vmem>>, vector<16xf32>,
      %mul3A_197 = arith.mulf %get3A_194, %get3A_196 : vector<16xf32>
      %add3A_198 = arith.addf %add3A_188, %mul3A_197 : vector<16xf32>
      %add3A_199 = arith.constant 240 : i32
      %add3A_200 = arith.addi %mul3A_48, %add3A_199 : i32
      %get3A_201 = arith.constant 0 : i32
      %get3A_202 = arith.index_cast %get3A_201 : i32 to index
      %get3A_203 = arith.index_cast %add3A_200 : i32 to index
      %get3A_204 = tpu.vector_load %arg5[%get3A_202, %get3A_203] {strides = array<i32>} : memref<2x4096xf32, #tpu.memory_space<vmem>>, vector<16xf32>,
      %get3A_205 = arith.index_cast %add3A_200 : i32 to index
      %get3A_206 = tpu.vector_load %arg6[%get3A_205] {strides = array<i32>} : memref<4096xf32, #tpu.memory_space<vmem>>, vector<16xf32>,
      %mul3A_207 = arith.mulf %get3A_204, %get3A_206 : vector<16xf32>
      %add3A_208 = arith.addf %add3A_198, %mul3A_207 : vector<16xf32>
      %eq3A = vector.broadcast %scan3A_45 : i32 to vector<16xi32>
      %eq3A_209 = arith.cmpi eq, %iota3A, %eq3A : vector<16xi32>
      %reduce_sum3A_210 = arith.constant true
      %reduce_sum3A_211 = vector.broadcast %reduce_sum3A_210 : i1 to vector<16xi1>
      %reduce_sum3A_212 = tpu.scan <sum>, %add3A_208 masked %reduce_sum3A_211 : vector<16xf32>, vector<16xi1> -> vector<16xf32>
      %reduce_sum3A_213 = vector.extract %reduce_sum3A_212[15] : f32 from vector<16xf32>
      %broadcast_in_dim3A_214 = vector.broadcast %reduce_sum3A_213 : f32 to vector<16xf32>
      %select_n3A = arith.select %eq3A_209, %broadcast_in_dim3A_214, %scan3A_46 : vector<16xi1>, vector<16xf32>
      scf.yield %select_n3A : vector<16xf32>
    }
    %scan3A_6 = arith.constant 16 : i32
    %reduce_max3A = arith.constant true
    %reduce_max3A_7 = vector.broadcast %reduce_max3A : i1 to vector<16xi1>
    %reduce_max3A_8 = tpu.scan <max>, %scan3A_5 masked %reduce_max3A_7 : vector<16xf32>, vector<16xi1> -> vector<16xf32>
    %reduce_max3A_9 = vector.extract %reduce_max3A_8[15] : f32 from vector<16xf32>
    %sub3A = vector.broadcast %reduce_max3A_9 : f32 to vector<16xf32>
    %sub3A_10 = arith.subf %scan3A_5, %sub3A : vector<16xf32>
    %exp3A = math.exp %sub3A_10 : vector<16xf32>
    %reduce_sum3A = arith.constant true
    %reduce_sum3A_11 = vector.broadcast %reduce_sum3A : i1 to vector<16xi1>
    %reduce_sum3A_12 = tpu.scan <sum>, %exp3A masked %reduce_sum3A_11 : vector<16xf32>, vector<16xi1> -> vector<16xf32>
    %reduce_sum3A_13 = vector.extract %reduce_sum3A_12[15] : f32 from vector<16xf32>
    %div3A = vector.broadcast %reduce_sum3A_13 : f32 to vector<16xf32>
    %div3A_14 = arith.divf %exp3A, %div3A : vector<16xf32>
    %swap3A = arith.constant 0 : i32
    %swap3A_15 = arith.index_cast %swap3A : i32 to index
    %swap3A_16 = arith.constant 0 : index
    %swap3A_17 = tpu.vector_load %arg7[%swap3A_15, %swap3A_16] {strides = array<i32>} : memref<2x16xf32, #tpu.memory_space<vmem>>, vector<16xf32>,
    tpu.vector_store %arg7[%swap3A_15, %swap3A_16], %div3A_14 {strides = array<i32>} : memref<2x16xf32, #tpu.memory_space<vmem>>, vector<16xf32>,
    %broadcast_in_dim3A_18 = arith.constant 0.000000e+00 : f32
    %broadcast_in_dim3A_19 = vector.broadcast %broadcast_in_dim3A_18 : f32 to vector<16xf32>
    %scan3A_20 = arith.constant 0 : i32
    %scan3A_21 = arith.constant 16 : i32
    %scan3A_22 = arith.addi %scan3A_20, %scan3A_21 : i32
    %scan3A_23 = arith.constant 1 : i32
    %scan3A_24 = scf.for %scan3A_45 = %scan3A_20 to %scan3A_22 step %scan3A_23 iter_args(%scan3A_46 = %broadcast_in_dim3A_19) -> (vector<16xf32>)  : i32 {
      %mul3A_47 = arith.constant 256 : i32
      %mul3A_48 = arith.muli %scan3A_45, %mul3A_47 : i32
      %broadcast_in_dim3A_49 = arith.constant 0.000000e+00 : f32
      %broadcast_in_dim3A_50 = vector.broadcast %broadcast_in_dim3A_49 : f32 to vector<16xf32>
      %add3A = arith.constant 0 : i32
      %add3A_51 = arith.addi %mul3A_48, %add3A : i32
      %get3A = arith.constant 1 : i32
      %get3A_52 = arith.index_cast %get3A : i32 to index
      %get3A_53 = arith.index_cast %add3A_51 : i32 to index
      %get3A_54 = tpu.vector_load %arg5[%get3A_52, %get3A_53] {strides = array<i32>} : memref<2x4096xf32, #tpu.memory_space<vmem>>, vector<16xf32>,
      %get3A_55 = arith.index_cast %add3A_51 : i32 to index
      %get3A_56 = tpu.vector_load %arg6[%get3A_55] {strides = array<i32>} : memref<4096xf32, #tpu.memory_space<vmem>>, vector<16xf32>,
      %mul3A_57 = arith.mulf %get3A_54, %get3A_56 : vector<16xf32>
      %add3A_58 = arith.addf %broadcast_in_dim3A_50, %mul3A_57 : vector<16xf32>
      %add3A_59 = arith.constant 16 : i32
      %add3A_60 = arith.addi %mul3A_48, %add3A_59 : i32
      %get3A_61 = arith.constant 1 : i32
      %get3A_62 = arith.index_cast %get3A_61 : i32 to index
      %get3A_63 = arith.index_cast %add3A_60 : i32 to index
      %get3A_64 = tpu.vector_load %arg5[%get3A_62, %get3A_63] {strides = array<i32>} : memref<2x4096xf32, #tpu.memory_space<vmem>>, vector<16xf32>,
      %get3A_65 = arith.index_cast %add3A_60 : i32 to index
      %get3A_66 = tpu.vector_load %arg6[%get3A_65] {strides = array<i32>} : memref<4096xf32, #tpu.memory_space<vmem>>, vector<16xf32>,
      %mul3A_67 = arith.mulf %get3A_64, %get3A_66 : vector<16xf32>
      %add3A_68 = arith.addf %add3A_58, %mul3A_67 : vector<16xf32>
      %add3A_69 = arith.constant 32 : i32
      %add3A_70 = arith.addi %mul3A_48, %add3A_69 : i32
      %get3A_71 = arith.constant 1 : i32
      %get3A_72 = arith.index_cast %get3A_71 : i32 to index
      %get3A_73 = arith.index_cast %add3A_70 : i32 to index
      %get3A_74 = tpu.vector_load %arg5[%get3A_72, %get3A_73] {strides = array<i32>} : memref<2x4096xf32, #tpu.memory_space<vmem>>, vector<16xf32>,
      %get3A_75 = arith.index_cast %add3A_70 : i32 to index
      %get3A_76 = tpu.vector_load %arg6[%get3A_75] {strides = array<i32>} : memref<4096xf32, #tpu.memory_space<vmem>>, vector<16xf32>,
      %mul3A_77 = arith.mulf %get3A_74, %get3A_76 : vector<16xf32>
      %add3A_78 = arith.addf %add3A_68, %mul3A_77 : vector<16xf32>
      %add3A_79 = arith.constant 48 : i32
      %add3A_80 = arith.addi %mul3A_48, %add3A_79 : i32
      %get3A_81 = arith.constant 1 : i32
      %get3A_82 = arith.index_cast %get3A_81 : i32 to index
      %get3A_83 = arith.index_cast %add3A_80 : i32 to index
      %get3A_84 = tpu.vector_load %arg5[%get3A_82, %get3A_83] {strides = array<i32>} : memref<2x4096xf32, #tpu.memory_space<vmem>>, vector<16xf32>,
      %get3A_85 = arith.index_cast %add3A_80 : i32 to index
      %get3A_86 = tpu.vector_load %arg6[%get3A_85] {strides = array<i32>} : memref<4096xf32, #tpu.memory_space<vmem>>, vector<16xf32>,
      %mul3A_87 = arith.mulf %get3A_84, %get3A_86 : vector<16xf32>
      %add3A_88 = arith.addf %add3A_78, %mul3A_87 : vector<16xf32>
      %add3A_89 = arith.constant 64 : i32
      %add3A_90 = arith.addi %mul3A_48, %add3A_89 : i32
      %get3A_91 = arith.constant 1 : i32
      %get3A_92 = arith.index_cast %get3A_91 : i32 to index
      %get3A_93 = arith.index_cast %add3A_90 : i32 to index
      %get3A_94 = tpu.vector_load %arg5[%get3A_92, %get3A_93] {strides = array<i32>} : memref<2x4096xf32, #tpu.memory_space<vmem>>, vector<16xf32>,
      %get3A_95 = arith.index_cast %add3A_90 : i32 to index
      %get3A_96 = tpu.vector_load %arg6[%get3A_95] {strides = array<i32>} : memref<4096xf32, #tpu.memory_space<vmem>>, vector<16xf32>,
      %mul3A_97 = arith.mulf %get3A_94, %get3A_96 : vector<16xf32>
      %add3A_98 = arith.addf %add3A_88, %mul3A_97 : vector<16xf32>
      %add3A_99 = arith.constant 80 : i32
      %add3A_100 = arith.addi %mul3A_48, %add3A_99 : i32
      %get3A_101 = arith.constant 1 : i32
      %get3A_102 = arith.index_cast %get3A_101 : i32 to index
      %get3A_103 = arith.index_cast %add3A_100 : i32 to index
      %get3A_104 = tpu.vector_load %arg5[%get3A_102, %get3A_103] {strides = array<i32>} : memref<2x4096xf32, #tpu.memory_space<vmem>>, vector<16xf32>,
      %get3A_105 = arith.index_cast %add3A_100 : i32 to index
      %get3A_106 = tpu.vector_load %arg6[%get3A_105] {strides = array<i32>} : memref<4096xf32, #tpu.memory_space<vmem>>, vector<16xf32>,
      %mul3A_107 = arith.mulf %get3A_104, %get3A_106 : vector<16xf32>
      %add3A_108 = arith.addf %add3A_98, %mul3A_107 : vector<16xf32>
      %add3A_109 = arith.constant 96 : i32
      %add3A_110 = arith.addi %mul3A_48, %add3A_109 : i32
      %get3A_111 = arith.constant 1 : i32
      %get3A_112 = arith.index_cast %get3A_111 : i32 to index
      %get3A_113 = arith.index_cast %add3A_110 : i32 to index
      %get3A_114 = tpu.vector_load %arg5[%get3A_112, %get3A_113] {strides = array<i32>} : memref<2x4096xf32, #tpu.memory_space<vmem>>, vector<16xf32>,
      %get3A_115 = arith.index_cast %add3A_110 : i32 to index
      %get3A_116 = tpu.vector_load %arg6[%get3A_115] {strides = array<i32>} : memref<4096xf32, #tpu.memory_space<vmem>>, vector<16xf32>,
      %mul3A_117 = arith.mulf %get3A_114, %get3A_116 : vector<16xf32>
      %add3A_118 = arith.addf %add3A_108, %mul3A_117 : vector<16xf32>
      %add3A_119 = arith.constant 112 : i32
      %add3A_120 = arith.addi %mul3A_48, %add3A_119 : i32
      %get3A_121 = arith.constant 1 : i32
      %get3A_122 = arith.index_cast %get3A_121 : i32 to index
      %get3A_123 = arith.index_cast %add3A_120 : i32 to index
      %get3A_124 = tpu.vector_load %arg5[%get3A_122, %get3A_123] {strides = array<i32>} : memref<2x4096xf32, #tpu.memory_space<vmem>>, vector<16xf32>,
      %get3A_125 = arith.index_cast %add3A_120 : i32 to index
      %get3A_126 = tpu.vector_load %arg6[%get3A_125] {strides = array<i32>} : memref<4096xf32, #tpu.memory_space<vmem>>, vector<16xf32>,
      %mul3A_127 = arith.mulf %get3A_124, %get3A_126 : vector<16xf32>
      %add3A_128 = arith.addf %add3A_118, %mul3A_127 : vector<16xf32>
      %add3A_129 = arith.constant 128 : i32
      %add3A_130 = arith.addi %mul3A_48, %add3A_129 : i32
      %get3A_131 = arith.constant 1 : i32
      %get3A_132 = arith.index_cast %get3A_131 : i32 to index
      %get3A_133 = arith.index_cast %add3A_130 : i32 to index
      %get3A_134 = tpu.vector_load %arg5[%get3A_132, %get3A_133] {strides = array<i32>} : memref<2x4096xf32, #tpu.memory_space<vmem>>, vector<16xf32>,
      %get3A_135 = arith.index_cast %add3A_130 : i32 to index
      %get3A_136 = tpu.vector_load %arg6[%get3A_135] {strides = array<i32>} : memref<4096xf32, #tpu.memory_space<vmem>>, vector<16xf32>,
      %mul3A_137 = arith.mulf %get3A_134, %get3A_136 : vector<16xf32>
      %add3A_138 = arith.addf %add3A_128, %mul3A_137 : vector<16xf32>
      %add3A_139 = arith.constant 144 : i32
      %add3A_140 = arith.addi %mul3A_48, %add3A_139 : i32
      %get3A_141 = arith.constant 1 : i32
      %get3A_142 = arith.index_cast %get3A_141 : i32 to index
      %get3A_143 = arith.index_cast %add3A_140 : i32 to index
      %get3A_144 = tpu.vector_load %arg5[%get3A_142, %get3A_143] {strides = array<i32>} : memref<2x4096xf32, #tpu.memory_space<vmem>>, vector<16xf32>,
      %get3A_145 = arith.index_cast %add3A_140 : i32 to index
      %get3A_146 = tpu.vector_load %arg6[%get3A_145] {strides = array<i32>} : memref<4096xf32, #tpu.memory_space<vmem>>, vector<16xf32>,
      %mul3A_147 = arith.mulf %get3A_144, %get3A_146 : vector<16xf32>
      %add3A_148 = arith.addf %add3A_138, %mul3A_147 : vector<16xf32>
      %add3A_149 = arith.constant 160 : i32
      %add3A_150 = arith.addi %mul3A_48, %add3A_149 : i32
      %get3A_151 = arith.constant 1 : i32
      %get3A_152 = arith.index_cast %get3A_151 : i32 to index
      %get3A_153 = arith.index_cast %add3A_150 : i32 to index
      %get3A_154 = tpu.vector_load %arg5[%get3A_152, %get3A_153] {strides = array<i32>} : memref<2x4096xf32, #tpu.memory_space<vmem>>, vector<16xf32>,
      %get3A_155 = arith.index_cast %add3A_150 : i32 to index
      %get3A_156 = tpu.vector_load %arg6[%get3A_155] {strides = array<i32>} : memref<4096xf32, #tpu.memory_space<vmem>>, vector<16xf32>,
      %mul3A_157 = arith.mulf %get3A_154, %get3A_156 : vector<16xf32>
      %add3A_158 = arith.addf %add3A_148, %mul3A_157 : vector<16xf32>
      %add3A_159 = arith.constant 176 : i32
      %add3A_160 = arith.addi %mul3A_48, %add3A_159 : i32
      %get3A_161 = arith.constant 1 : i32
      %get3A_162 = arith.index_cast %get3A_161 : i32 to index
      %get3A_163 = arith.index_cast %add3A_160 : i32 to index
      %get3A_164 = tpu.vector_load %arg5[%get3A_162, %get3A_163] {strides = array<i32>} : memref<2x4096xf32, #tpu.memory_space<vmem>>, vector<16xf32>,
      %get3A_165 = arith.index_cast %add3A_160 : i32 to index
      %get3A_166 = tpu.vector_load %arg6[%get3A_165] {strides = array<i32>} : memref<4096xf32, #tpu.memory_space<vmem>>, vector<16xf32>,
      %mul3A_167 = arith.mulf %get3A_164, %get3A_166 : vector<16xf32>
      %add3A_168 = arith.addf %add3A_158, %mul3A_167 : vector<16xf32>
      %add3A_169 = arith.constant 192 : i32
      %add3A_170 = arith.addi %mul3A_48, %add3A_169 : i32
      %get3A_171 = arith.constant 1 : i32
      %get3A_172 = arith.index_cast %get3A_171 : i32 to index
      %get3A_173 = arith.index_cast %add3A_170 : i32 to index
      %get3A_174 = tpu.vector_load %arg5[%get3A_172, %get3A_173] {strides = array<i32>} : memref<2x4096xf32, #tpu.memory_space<vmem>>, vector<16xf32>,
      %get3A_175 = arith.index_cast %add3A_170 : i32 to index
      %get3A_176 = tpu.vector_load %arg6[%get3A_175] {strides = array<i32>} : memref<4096xf32, #tpu.memory_space<vmem>>, vector<16xf32>,
      %mul3A_177 = arith.mulf %get3A_174, %get3A_176 : vector<16xf32>
      %add3A_178 = arith.addf %add3A_168, %mul3A_177 : vector<16xf32>
      %add3A_179 = arith.constant 208 : i32
      %add3A_180 = arith.addi %mul3A_48, %add3A_179 : i32
      %get3A_181 = arith.constant 1 : i32
      %get3A_182 = arith.index_cast %get3A_181 : i32 to index
      %get3A_183 = arith.index_cast %add3A_180 : i32 to index
      %get3A_184 = tpu.vector_load %arg5[%get3A_182, %get3A_183] {strides = array<i32>} : memref<2x4096xf32, #tpu.memory_space<vmem>>, vector<16xf32>,
      %get3A_185 = arith.index_cast %add3A_180 : i32 to index
      %get3A_186 = tpu.vector_load %arg6[%get3A_185] {strides = array<i32>} : memref<4096xf32, #tpu.memory_space<vmem>>, vector<16xf32>,
      %mul3A_187 = arith.mulf %get3A_184, %get3A_186 : vector<16xf32>
      %add3A_188 = arith.addf %add3A_178, %mul3A_187 : vector<16xf32>
      %add3A_189 = arith.constant 224 : i32
      %add3A_190 = arith.addi %mul3A_48, %add3A_189 : i32
      %get3A_191 = arith.constant 1 : i32
      %get3A_192 = arith.index_cast %get3A_191 : i32 to index
      %get3A_193 = arith.index_cast %add3A_190 : i32 to index
      %get3A_194 = tpu.vector_load %arg5[%get3A_192, %get3A_193] {strides = array<i32>} : memref<2x4096xf32, #tpu.memory_space<vmem>>, vector<16xf32>,
      %get3A_195 = arith.index_cast %add3A_190 : i32 to index
      %get3A_196 = tpu.vector_load %arg6[%get3A_195] {strides = array<i32>} : memref<4096xf32, #tpu.memory_space<vmem>>, vector<16xf32>,
      %mul3A_197 = arith.mulf %get3A_194, %get3A_196 : vector<16xf32>
      %add3A_198 = arith.addf %add3A_188, %mul3A_197 : vector<16xf32>
      %add3A_199 = arith.constant 240 : i32
      %add3A_200 = arith.addi %mul3A_48, %add3A_199 : i32
      %get3A_201 = arith.constant 1 : i32
      %get3A_202 = arith.index_cast %get3A_201 : i32 to index
      %get3A_203 = arith.index_cast %add3A_200 : i32 to index
      %get3A_204 = tpu.vector_load %arg5[%get3A_202, %get3A_203] {strides = array<i32>} : memref<2x4096xf32, #tpu.memory_space<vmem>>, vector<16xf32>,
      %get3A_205 = arith.index_cast %add3A_200 : i32 to index
      %get3A_206 = tpu.vector_load %arg6[%get3A_205] {strides = array<i32>} : memref<4096xf32, #tpu.memory_space<vmem>>, vector<16xf32>,
      %mul3A_207 = arith.mulf %get3A_204, %get3A_206 : vector<16xf32>
      %add3A_208 = arith.addf %add3A_198, %mul3A_207 : vector<16xf32>
      %eq3A = vector.broadcast %scan3A_45 : i32 to vector<16xi32>
      %eq3A_209 = arith.cmpi eq, %iota3A, %eq3A : vector<16xi32>
      %reduce_sum3A_210 = arith.constant true
      %reduce_sum3A_211 = vector.broadcast %reduce_sum3A_210 : i1 to vector<16xi1>
      %reduce_sum3A_212 = tpu.scan <sum>, %add3A_208 masked %reduce_sum3A_211 : vector<16xf32>, vector<16xi1> -> vector<16xf32>
      %reduce_sum3A_213 = vector.extract %reduce_sum3A_212[15] : f32 from vector<16xf32>
      %broadcast_in_dim3A_214 = vector.broadcast %reduce_sum3A_213 : f32 to vector<16xf32>
      %select_n3A = arith.select %eq3A_209, %broadcast_in_dim3A_214, %scan3A_46 : vector<16xi1>, vector<16xf32>
      scf.yield %select_n3A : vector<16xf32>
    }
    %scan3A_25 = arith.constant 16 : i32
    %reduce_max3A_26 = arith.constant true
    %reduce_max3A_27 = vector.broadcast %reduce_max3A_26 : i1 to vector<16xi1>
    %reduce_max3A_28 = tpu.scan <max>, %scan3A_24 masked %reduce_max3A_27 : vector<16xf32>, vector<16xi1> -> vector<16xf32>
    %reduce_max3A_29 = vector.extract %reduce_max3A_28[15] : f32 from vector<16xf32>
    %sub3A_30 = vector.broadcast %reduce_max3A_29 : f32 to vector<16xf32>
    %sub3A_31 = arith.subf %scan3A_24, %sub3A_30 : vector<16xf32>
    %exp3A_32 = math.exp %sub3A_31 : vector<16xf32>
    %reduce_sum3A_33 = arith.constant true
    %reduce_sum3A_34 = vector.broadcast %reduce_sum3A_33 : i1 to vector<16xi1>
    %reduce_sum3A_35 = tpu.scan <sum>, %exp3A_32 masked %reduce_sum3A_34 : vector<16xf32>, vector<16xi1> -> vector<16xf32>
    %reduce_sum3A_36 = vector.extract %reduce_sum3A_35[15] : f32 from vector<16xf32>
    %div3A_37 = vector.broadcast %reduce_sum3A_36 : f32 to vector<16xf32>
    %div3A_38 = arith.divf %exp3A_32, %div3A_37 : vector<16xf32>
    %swap3A_39 = arith.constant 1 : i32
    %swap3A_40 = arith.index_cast %swap3A_39 : i32 to index
    %swap3A_41 = arith.constant 0 : index
    %swap3A_42 = tpu.vector_load %arg7[%swap3A_40, %swap3A_41] {strides = array<i32>} : memref<2x16xf32, #tpu.memory_space<vmem>>, vector<16xf32>,
    tpu.vector_store %arg7[%swap3A_40, %swap3A_41], %div3A_38 {strides = array<i32>} : memref<2x16xf32, #tpu.memory_space<vmem>>, vector<16xf32>,
    %mul3A_43 = arith.constant 2 : i32
    %mul3A_44 = arith.muli %arg1, %mul3A_43 : i32
    "tpu.region"() ({
      %run_scoped3A = tpu.sem_alloc : memref<!tpu.dma_semaphore, #tpu.memory_space<semaphore_mem>>
      %dma_start3A = arith.constant 0 : i32
      %dma_start3A_45 = tpu.memref_slice %arg4[%mul3A_44, %dma_start3A] : memref<32x16xf32, #tpu.memory_space<hbm>> -> memref<2x16xf32, #tpu.memory_space<hbm>>
      %dma_start3A_46 = arith.constant 0 : i32
      %dma_start3A_47 = tpu.memref_slice %arg4[%mul3A_44, %dma_start3A_46] : memref<32x16xf32, #tpu.memory_space<hbm>> -> memref<2x16xf32, #tpu.memory_space<hbm>>
      tpu.enqueue_dma source(%arg7 : memref<2x16xf32, #tpu.memory_space<vmem>>) target(%dma_start3A_47 : memref<2x16xf32, #tpu.memory_space<hbm>>) target_semaphore(%run_scoped3A : memref<!tpu.dma_semaphore, #tpu.memory_space<semaphore_mem>>)
      %dma_wait3A = arith.constant 0 : i32
      %dma_wait3A_48 = tpu.memref_slice %arg4[%mul3A_44, %dma_wait3A] : memref<32x16xf32, #tpu.memory_space<hbm>> -> memref<2x16xf32, #tpu.memory_space<hbm>>
      %dma_wait3A_49 = arith.constant 0 : i32
      %dma_wait3A_50 = tpu.memref_slice %arg4[%mul3A_44, %dma_wait3A_49] : memref<32x16xf32, #tpu.memory_space<hbm>> -> memref<2x16xf32, #tpu.memory_space<hbm>>
      tpu.wait_dma2 semaphore(%run_scoped3A : memref<!tpu.dma_semaphore, #tpu.memory_space<semaphore_mem>>) src(%arg7 : memref<2x16xf32, #tpu.memory_space<vmem>>) dst(%dma_wait3A_50 : memref<2x16xf32, #tpu.memory_space<hbm>>)
      tpu.yield
    }) : () -> ()
    return
  }
}

module attributes {stable_mosaic.version = 14 : i64} {
  func.func @_unit_body(%arg0: i32, %arg1: memref<32x256xf32, #tpu.memory_space<vmem>>, %arg2: memref<32x512xf32, #tpu.memory_space<vmem>>, %arg3: memref<1x512x512xf32, #tpu.memory_space<vmem>>, %arg4: memref<1x256x512xf32, #tpu.memory_space<vmem>>, %arg5: memref<1x1x512xf32, #tpu.memory_space<vmem>>, %arg6: memref<1x512x256xf32, #tpu.memory_space<vmem>>, %arg7: memref<1x1x1xf32, #tpu.memory_space<vmem>>, %arg8: memref<1x32x1xf32, #tpu.memory_space<vmem>>, %arg9: memref<32x512xf32, #tpu.memory_space<vmem>>, %arg10: memref<32x256xf32, #tpu.memory_space<vmem>>) attributes {dimension_semantics = [#tpu.dimension_semantics<arbitrary>], iteration_bounds = array<i64: 16>, scalar_prefetch = 0 : i64, scratch_operands = 0 : i64, tpu.core_type = #tpu.core_type<tc>, window_params = [{transform_indices = @transform_0, window_bounds = array<i64: 32, 256>}, {transform_indices = @transform_1, window_bounds = array<i64: 32, 512>}, {transform_indices = @transform_2, window_bounds = array<i64: 1, 512, 512>}, {transform_indices = @transform_3, window_bounds = array<i64: 1, 256, 512>}, {transform_indices = @transform_4, window_bounds = array<i64: 1, 1, 512>}, {transform_indices = @transform_5, window_bounds = array<i64: 1, 512, 256>}, {transform_indices = @transform_6, window_bounds = array<i64: 1, 1, 1>}, {transform_indices = @transform_7, window_bounds = array<i64: 1, 32, 1>}, {transform_indices = @transform_8, window_bounds = array<i64: 32, 512>}, {transform_indices = @transform_9, window_bounds = array<i64: 32, 256>}]} {
    %get3A = arith.constant 0 : index
    %get3A_0 = arith.constant 0 : index
    %get3A_1 = vector.load %arg1[%get3A, %get3A_0] : memref<32x256xf32, #tpu.memory_space<vmem>>, vector<32x256xf32>
    %get3A_2 = arith.constant 0 : index
    %get3A_3 = arith.constant 0 : index
    %get3A_4 = vector.load %arg2[%get3A_2, %get3A_3] : memref<32x512xf32, #tpu.memory_space<vmem>>, vector<32x512xf32>
    %get3A_5 = arith.constant 0 : index
    %get3A_6 = arith.constant 0 : index
    %get3A_7 = arith.constant 0 : index
    %get3A_8 = vector.load %arg4[%get3A_5, %get3A_6, %get3A_7] : memref<1x256x512xf32, #tpu.memory_space<vmem>>, vector<1x256x512xf32>
    %get3A_9 = vector.shape_cast %get3A_8 : vector<1x256x512xf32> to vector<256x512xf32>
    %dot_general3A = arith.constant dense<0.000000e+00> : vector<32x512xf32>
    %dot_general3A_10 = tpu.matmul %get3A_1, %get3A_9, %dot_general3A {dimension_numbers = #tpu.dot_dimension_numbers<[1], [0], [0], [1], [0, 0, 1, 1], [], []>, transpose_lhs_hint = false} : vector<32x256xf32>, vector<256x512xf32>, vector<32x512xf32> -> vector<32x512xf32>
    %get3A_11 = arith.constant 0 : index
    %get3A_12 = arith.constant 0 : index
    %get3A_13 = arith.constant 0 : index
    %get3A_14 = vector.load %arg3[%get3A_11, %get3A_12, %get3A_13] : memref<1x512x512xf32, #tpu.memory_space<vmem>>, vector<1x512x512xf32>
    %get3A_15 = vector.shape_cast %get3A_14 : vector<1x512x512xf32> to vector<512x512xf32>
    %dot_general3A_16 = arith.constant dense<0.000000e+00> : vector<32x512xf32>
    %dot_general3A_17 = tpu.matmul %get3A_4, %get3A_15, %dot_general3A_16 {dimension_numbers = #tpu.dot_dimension_numbers<[1], [0], [0], [1], [0, 0, 1, 1], [], []>, transpose_lhs_hint = false} : vector<32x512xf32>, vector<512x512xf32>, vector<32x512xf32> -> vector<32x512xf32>
    %get3A_18 = arith.constant 0 : index
    %get3A_19 = arith.constant 0 : index
    %get3A_20 = arith.constant 0 : index
    %get3A_21 = vector.load %arg7[%get3A_18, %get3A_19, %get3A_20] : memref<1x1x1xf32, #tpu.memory_space<vmem>>, vector<1x1x1xf32>
    %get3A_22 = vector.extract %get3A_21[0, 0, 0] : f32 from vector<1x1x1xf32>
    %mul3A = vector.broadcast %get3A_22 : f32 to vector<32x512xf32>
    %mul3A_23 = arith.mulf %dot_general3A_17, %mul3A : vector<32x512xf32>
    %get3A_24 = arith.constant 0 : index
    %get3A_25 = arith.constant 0 : index
    %get3A_26 = arith.constant 0 : index
    %get3A_27 = vector.load %arg5[%get3A_24, %get3A_25, %get3A_26] : memref<1x1x512xf32, #tpu.memory_space<vmem>>, vector<1x1x512xf32>
    %get3A_28 = vector.shape_cast %get3A_27 : vector<1x1x512xf32> to vector<1x512xf32>
    %add3A = vector.broadcast %get3A_28 : vector<1x512xf32> to vector<32x512xf32>
    %add3A_29 = arith.addf %mul3A_23, %add3A : vector<32x512xf32>
    %get3A_30 = arith.constant 0 : index
    %get3A_31 = arith.constant 0 : index
    %get3A_32 = arith.constant 0 : index
    %get3A_33 = vector.load %arg8[%get3A_30, %get3A_31, %get3A_32] : memref<1x32x1xf32, #tpu.memory_space<vmem>>, vector<1x32x1xf32>
    %get3A_34 = vector.shape_cast %get3A_33 : vector<1x32x1xf32> to vector<32x1xf32>
    %sub3A = arith.constant 1.000000e+00 : f32
    %sub3A_35 = vector.broadcast %sub3A : f32 to vector<32x1xf32>
    %sub3A_36 = arith.subf %sub3A_35, %get3A_34 : vector<32x1xf32>
    %mul3A_37 = vector.broadcast %sub3A_36 : vector<32x1xf32> to vector<32x512xf32>
    %mul3A_38 = arith.mulf %mul3A_37, %get3A_4 : vector<32x512xf32>
    %add3A_39 = arith.addf %dot_general3A_10, %add3A_29 : vector<32x512xf32>
    %tanh3A = math.tanh %add3A_39 : vector<32x512xf32>
    %mul3A_40 = vector.broadcast %get3A_34 : vector<32x1xf32> to vector<32x512xf32>
    %mul3A_41 = arith.mulf %mul3A_40, %tanh3A : vector<32x512xf32>
    %add3A_42 = arith.addf %mul3A_38, %mul3A_41 : vector<32x512xf32>
    %swap3A = arith.constant 0 : index
    %swap3A_43 = arith.constant 0 : index
    %swap3A_44 = vector.load %arg9[%swap3A, %swap3A_43] : memref<32x512xf32, #tpu.memory_space<vmem>>, vector<32x512xf32>
    tpu.vector_store %arg9[%swap3A, %swap3A_43], %add3A_42 {strides = array<i32>} : memref<32x512xf32, #tpu.memory_space<vmem>>, vector<32x512xf32>,
    %get3A_45 = arith.constant 0 : index
    %get3A_46 = arith.constant 0 : index
    %get3A_47 = arith.constant 0 : index
    %get3A_48 = vector.load %arg6[%get3A_45, %get3A_46, %get3A_47] : memref<1x512x256xf32, #tpu.memory_space<vmem>>, vector<1x512x256xf32>
    %get3A_49 = vector.shape_cast %get3A_48 : vector<1x512x256xf32> to vector<512x256xf32>
    %dot_general3A_50 = arith.constant dense<0.000000e+00> : vector<32x256xf32>
    %dot_general3A_51 = tpu.matmul %add3A_42, %get3A_49, %dot_general3A_50 {dimension_numbers = #tpu.dot_dimension_numbers<[1], [0], [0], [1], [0, 0, 1, 1], [], []>, transpose_lhs_hint = false} : vector<32x512xf32>, vector<512x256xf32>, vector<32x256xf32> -> vector<32x256xf32>
    %swap3A_52 = arith.constant 0 : index
    %swap3A_53 = arith.constant 0 : index
    %swap3A_54 = vector.load %arg10[%swap3A_52, %swap3A_53] : memref<32x256xf32, #tpu.memory_space<vmem>>, vector<32x256xf32>
    tpu.vector_store %arg10[%swap3A_52, %swap3A_53], %dot_general3A_51 {strides = array<i32>} : memref<32x256xf32, #tpu.memory_space<vmem>>, vector<32x256xf32>,
    return
  }
  func.func @transform_0(%arg0: i32) -> (i32, i32) {
    %c0_i32 = arith.constant 0 : i32
    %c0_i32_0 = arith.constant 0 : i32
    return %c0_i32, %arg0 : i32, i32
  }
  func.func @transform_1(%arg0: i32) -> (i32, i32) {
    %c0_i32 = arith.constant 0 : i32
    %c0_i32_0 = arith.constant 0 : i32
    return %c0_i32, %arg0 : i32, i32
  }
  func.func @transform_2(%arg0: i32) -> (i32, i32, i32) {
    %c0_i32 = arith.constant 0 : i32
    %c0_i32_0 = arith.constant 0 : i32
    %c0_i32_1 = arith.constant 0 : i32
    return %arg0, %c0_i32, %c0_i32_0 : i32, i32, i32
  }
  func.func @transform_3(%arg0: i32) -> (i32, i32, i32) {
    %c0_i32 = arith.constant 0 : i32
    %c0_i32_0 = arith.constant 0 : i32
    %c0_i32_1 = arith.constant 0 : i32
    return %arg0, %c0_i32, %c0_i32_0 : i32, i32, i32
  }
  func.func @transform_4(%arg0: i32) -> (i32, i32, i32) {
    %c0_i32 = arith.constant 0 : i32
    %c0_i32_0 = arith.constant 0 : i32
    %c0_i32_1 = arith.constant 0 : i32
    return %arg0, %c0_i32, %c0_i32_0 : i32, i32, i32
  }
  func.func @transform_5(%arg0: i32) -> (i32, i32, i32) {
    %c0_i32 = arith.constant 0 : i32
    %c0_i32_0 = arith.constant 0 : i32
    %c0_i32_1 = arith.constant 0 : i32
    return %arg0, %c0_i32, %c0_i32_0 : i32, i32, i32
  }
  func.func @transform_6(%arg0: i32) -> (i32, i32, i32) {
    %c0_i32 = arith.constant 0 : i32
    %c0_i32_0 = arith.constant 0 : i32
    %c0_i32_1 = arith.constant 0 : i32
    return %arg0, %c0_i32, %c0_i32_0 : i32, i32, i32
  }
  func.func @transform_7(%arg0: i32) -> (i32, i32, i32) {
    %c0_i32 = arith.constant 0 : i32
    %c0_i32_0 = arith.constant 0 : i32
    %c0_i32_1 = arith.constant 0 : i32
    return %arg0, %c0_i32, %c0_i32_0 : i32, i32, i32
  }
  func.func @transform_8(%arg0: i32) -> (i32, i32) {
    %c0_i32 = arith.constant 0 : i32
    %c0_i32_0 = arith.constant 0 : i32
    return %c0_i32, %arg0 : i32, i32
  }
  func.func @transform_9(%arg0: i32) -> (i32, i32) {
    %c0_i32 = arith.constant 0 : i32
    %c0_i32_0 = arith.constant 0 : i32
    return %c0_i32, %arg0 : i32, i32
  }
}

</mosaic_0001>

<sc_bundles>
// kernel: kernel.4.cloned.1.call-start
scs
__scs_entry_jumppad:
0x0: {  	(pc) =	sbr.rel $0x88, $3  }
0x1: {  	(tag) =	ssettag $0x0;
	lr =	simm.s32 $0x1  }
0x2: {  	[smem:$0x3F98] =	sst lr;
	_ =	strace $0xD0000000  }
0x3: {  	_ = 	snop  }
0x4: {  	_ = 	snop  }
0x5: {  	_ = 	snop  }
0x6: {  	_ = 	snop  }
0x7: {  	_ = 	snop  }
__scs_overlays_trampoline_lowered:
0x8: {  	[smem:$0x3FA7] =	sst s0  }
0x9: {  	[smem:$0x3FA8] =	sst s1  }
0xa: {  	[smem:$0x3FA9] =	sst s2  }
0xb: {  	[smem:$0x3FAA] =	sst s3  }
0xc: {  	[smem:$0x3FAB] =	sst s4  }
0xd: {  	[smem:$0x3FAC] =	sst s5  }
0xe: {  	[smem:$0x3FAD] =	sst s6  }
0xf: {  	[smem:$0x3FAE] =	sst s7  }
0x10: {  	[smem:$0x3FAF] =	sst s8  }
0x11: {  	[smem:$0x3FB0] =	sst s9;
	s0 =	simm.s32 @!p0 $0x0  }
0x12: {  	s1 =	sld [smem:$0x3F96];
	s0 =	simm.s32 @p0 $0x1  }
0x13: {  	[smem:$0x3FB1] =	sst s0;
	s0 =	simm.s32 @!p1 $0x0  }
0x14: {  	s2 =	sld [smem:$0x3F95];
	s0 =	simm.s32 @p1 $0x1  }
0x15: {  	[smem:$0x3FB2] =	sst s0;
	s0 =	simm.s32 @!p2 $0x0  }
0x16: {  	s3 =	sld [smem:$0x3FDB];
	s0 =	simm.s32 @p2 $0x1  }
0x17: {  	s4 =	simm.s32 $0x1BF5;
	[smem:$0x3FB4] =	sst s0  }
0x18: {  	s0 =	sld [smem:$0x3F97];
	_ =	swait.ge [sflag:s4], $0x0  }
0x19: {  	s7 =	sld [smem:$0x3F98]  }
0x1a: {  	s8 =	sadd.s32 $0xFFFFE003, lr  }
0x1b: {  	s9 =	sadd.s32 $0xFFFFFEF7, lr;
	s5 =	simm.s32 $0xFFFFFFFF;
	p2 =	slt.u32 s8, $0xFFFFF086  }
0x1c: {  	p1 =	slt.u32 s9, $0xF7A;
	s5 =	simm.s32 @!p2 $0x0  }
0x1d: {  	s5 =	simm.s32 @p1 $0x1;
	p0 =	seq.s32 s7, s2  }
0x1e: {  	s7 =	smul.u32 @!p0 $0xF7A, s2;
	p2 =	seq.s32 @!p0 s5, $0x0  }
0x1f: {  	s9 =	smul.u32 $0xF7A, s1;
	s8 =	simm.s32 @!p0 $0x1BF5;
	p2 =	por !p2, p0  }
0x20: {  	[sflag:s8] =	ssyncset.s32 @!p0 $0xFFFFF086;
	s6 =	sadd.s32 @!p0 s3, s7;
	s7 =	simm.s32 @!p0 $0x108  }
0x21: {  	s3 =	sadd.s32 s3, s9;
	s6 =	sadd.s32 @!p0 $0x88, s6;
	s7 =	simm.s32 @p2 $0x1082  }
0x22: {  	[simem:s7], [sflag:s8] =	dma.local @!p0 [hbm:s6], $0xF7A  }
0x23: {  	s9 =	sor.u32 $0xD0000000, s2;
	s6 =	simm.s32 $0x108;
	_ =	swait.ge @!p0 [sflag:s8], $0x0  }
0x24: {  	s3 =	sadd.s32 $0x88, s3;
	s6 =	simm.s32 @!p1 $0x1082;
	[sflag:s4] =	ssyncset.s32 $0xFFFFF086  }
0x25: {  	[simem:s6], [sflag:s4] =	dma.local [hbm:s3], $0xF7A  }
0x26: {  	[smem:$0x3F98] =	sst s1;
	(tag) =	ssettag s2;
	_ =	strace s9  }
0x27: {  	s1 =	sld [smem:$0x3FA8]  }
0x28: {  	s2 =	sld [smem:$0x3FA9]  }
0x29: {  	s4 =	sld [smem:$0x3FAB]  }
0x2a: {  	p0 =	seq.s32 s5, $0x0;
	s5 =	sld [smem:$0x3FAC]  }
0x2b: {  	s6 =	sld [smem:$0x3FAD]  }
0x2c: {  	s7 =	sld [smem:$0x3FAE]  }
0x2d: {  	s3 =	simm.s32 $0x108;
	s8 =	sld [smem:$0x3FAF]  }
0x2e: {  	s3 =	simm.s32 @!p0 $0x1082;
	s9 =	sld [smem:$0x3FB0]  }
0x2f: {  	lr =	sadd.s32 s0, s3;
	s0 =	sld [smem:$0x3FA7]  }
0x30: {  	s3 =	sld [smem:$0x3FAA]  }
0x31: {  	[smem:$0x3FB3] =	sst s10  }
0x32: {  	s10 =	sld [smem:$0x3FB1];
	_ =	sdelay $0x3  }
0x33: {  	p0 =	seq.s32 s10, $0x1;
	s10 =	sld [smem:$0x3FB3];
	_ =	sdelay $0x3  }
0x34: {  	[smem:$0x3FB3] =	sst s10  }
0x35: {  	s10 =	sld [smem:$0x3FB2];
	_ =	sdelay $0x3  }
0x36: {  	p1 =	seq.s32 s10, $0x1;
	s10 =	sld [smem:$0x3FB3];
	_ =	sdelay $0x3  }
0x37: {  	[smem:$0x3FB3] =	sst s10  }
0x38: {  	s10 =	sld [smem:$0x3FB4]  }
0x39: {  	_ = 	snop;
	(pc) =	sbr.ind lr, $3  }
0x3a: {  	_ = 	snop  }
0x3b: {  	_ = 	snop  }
0x3c: {  	p2 =	seq.s32 s10, $0x1;
	s10 =	sld [smem:$0x3FB3]  }
0x3d: {  	_ =	shalt  }
0x3e: {  	_ =	shalt  }
0x3f: {  	_ =	shalt  }
0x40: {  	_ =	shalt  }
0x41: {  	_ =	shalt  }
0x42: {  	_ =	shalt  }
0x43: {  	_ =	shalt  }
0x44: {  	_ =	shalt  }
0x45: {  	_ =	shalt  }
0x46: {  	_ =	shalt  }
0x47: {  	_ =	shalt  }
0x48: {  	_ =	shalt  }
0x49: {  	_ =	shalt  }
0x4a: {  	_ =	shalt  }
0x4b: {  	_ =	shalt  }
0x4c: {  	_ =	shalt  }
0x4d: {  	_ =	shalt  }
0x4e: {  	_ =	shalt  }
0x4f: {  	_ =	shalt  }
0x50: {  	_ =	shalt  }
0x51: {  	_ =	shalt  }
0x52: {  	_ =	shalt  }
0x53: {  	_ =	shalt  }
0x54: {  	_ =	shalt  }
0x55: {  	_ =	shalt  }
0x56: {  	_ =	shalt  }
0x57: {  	_ =	shalt  }
0x58: {  	_ =	shalt  }
0x59: {  	_ =	shalt  }
0x5a: {  	_ =	shalt  }
0x5b: {  	_ =	shalt  }
0x5c: {  	_ =	shalt  }
0x5d: {  	_ =	shalt  }
0x5e: {  	_ =	shalt  }
0x5f: {  	_ =	shalt  }
0x60: {  	_ =	shalt  }
0x61: {  	_ =	shalt  }
0x62: {  	_ =	shalt  }
0x63: {  	_ =	shalt  }
0x64: {  	_ =	shalt  }
0x65: {  	_ =	shalt  }
0x66: {  	_ =	shalt  }
0x67: {  	_ =	shalt  }
0x68: {  	_ =	shalt  }
0x69: {  	_ =	shalt  }
0x6a: {  	_ =	shalt  }
0x6b: {  	_ =	shalt  }
0x6c: {  	_ =	shalt  }
0x6d: {  	_ =	shalt  }
0x6e: {  	_ =	shalt  }
0x6f: {  	_ =	shalt  }
0x70: {  	_ =	shalt  }
0x71: {  	_ =	shalt  }
0x72: {  	_ =	shalt  }
0x73: {  	_ =	shalt  }
0x74: {  	_ =	shalt  }
0x75: {  	_ =	shalt  }
0x76: {  	_ =	shalt  }
0x77: {  	_ =	shalt  }
0x78: {  	_ =	shalt  }
0x79: {  	_ =	shalt  }
0x7a: {  	_ =	shalt  }
0x7b: {  	_ =	shalt  }
0x7c: {  	_ =	shalt  }
0x7d: {  	_ =	shalt  }
0x7e: {  	_ =	shalt  }
0x7f: {  	_ =	shalt  }
0x80: {  	_ =	shalt  }
0x81: {  	_ =	shalt  }
0x82: {  	_ =	shalt  }
0x83: {  	_ =	shalt  }
0x84: {  	_ =	shalt  }
0x85: {  	_ =	shalt  }
0x86: {  	_ =	shalt  }
0x87: {  	_ =	shalt  }
.Lfunc_end0:
.L_simem_size_0:
called_computation_lowered:
.L_overlay_start_0:
0x88: {  	s0 =	sld [smem:$0x3FD9]  }
0x89: {  	s1 =	sld [smem:$0x3FFE];
	_ =	sdelay $0x3  }
0x8a: {  	s0 =	sadd.s32 s1, s0  }
0x8b: {  	[smem:$0x3FBF] =	sst s0  }
0x8c: {  	_ = 	snop  }
0x8d: {  	s0 =	sld [smem:$0x3FD0];
	_ =	sdelay $0x2  }
0x8e: {  	s13 =	simm.s32 $0xA;
	s2 =	simm.s32 $0x10  }
0x8f: {  	[smem:s2], [sflag:s13] =	dma.local [hbm:s0], $0x1  }
0x90: {  	_ =	swait.eq [sflag:s13], $0x1  }
0x91: {  	[sflag:s13] =	ssyncset.done $0x0  }
0x92: {  	s14 =	sld [smem:$0x10];
	[sflag:s13] =	ssyncadd.s32 $0xFFFFFFFF  }
0x93: {  	s15 =	sld [smem:$0x11];
	(tm) =	ssettm $0x1  }
0x94: {  	s16 =	sld [smem:$0x3FFB];
	_ =	sdelay $0x3  }
0x95: {  	_ =	strace s16  }
0x96: {  	s2 =	sld [smem:$0x3FFC];
	_ =	sdelay $0x3  }
0x97: {  	_ =	strace s2  }
0x98: {  	s2 =	sld [smem:$0x3FFD];
	_ =	sdelay $0x3  }
0x99: {  	_ =	strace s2  }
0x9a: {  	_ =	strace $0x8FFFFFFF  }
0x9b: {  	s17 =	sld [smem:$0x3FDB];
	_ =	sdelay $0x1  }
0x9c: {  	s3 =	simm.s32 $_scs_section_size  }
0x9d: {  	s4 =	simm.s32 $_size__tile_overlayer_lowered;
	s5 =	simm.s32 $_tile_overlayer_lowered  }
0x9e: {  	s20 =	simm.s32 $0x1BFF;
	s19 =	sshll.u32 s5, $0x1;
	s2 =	sadd.s32 s3, s17  }
0x9f: {  	s6 =	simm.s32 $0x0;
	s18 =	sshll.u32 s4, $0x1;
	s4 =	sadd.s32 s19, s2  }
0xa0: {  	[timem:s6], [sflag:s20] =	dma.local [hbm:s4], s18  }
0xa1: {  	_ =	swait.ge [sflag:s20], s18  }
0xa2: {  	s3 =	ssub.s32 $0x0, s18;
	[sflag:s20] =	ssyncset.done $0x0  }
0xa3: {  	[sflag:s20] =	ssyncadd.s32 s3;
	_ =	sdelay $0x1  }
0xa4: {  	s21 =	simm.s32 $0x1B8B  }
0xa5: {  	_ =	swait.ge [sflag:s21], $0x1  }
0xa6: {  	[sflag:s21] =	ssyncset.done $0x0  }
0xa7: {  	s23 =	simm.s32 $0x1B8E;
	s22 =	sld [smem:$0x3FFE];
	[sflag:s21] =	ssyncadd.s32 $0xFFFFFFFF  }
0xa8: {  	s24 =	simm.s32 $execute0_lowered;
	[smem:$0x3FD2] =	sst s23  }
0xa9: {  	s4 =	sshll.u32 s24, $0x1;
	_ =	strace $0x80000046;
	[dreg:$0x1] =	wrdreg $0xFFFFFFFF  }
0xaa: {  	s25 =	simm.s32 $_size_execute0_lowered;
	s2 =	sadd.s32 s2, s4;
	[dreg:$0x0] =	wrdreg $0x0  }
0xab: {  	s4 =	sshll.u32 s25, $0x1;
	[dreg:$0x2] =	wrdreg s2  }
0xac: {  	[dreg:$0x3] =	wrdreg s4  }
0xad: {  	[dreg:$0x4] =	wrdreg $0xC0  }
0xae: {  	_ =	task [dreg:s6], $0x5FFFF  }
0xaf: {  	[dreg:$0x1] =	wrdreg $0xFFFFFFFF  }
0xb0: {  	[dreg:$0x0] =	wrdreg $0x60  }
0xb1: {  	[dreg:$0x2] =	wrdreg s15  }
0xb2: {  	[dreg:$0x3] =	wrdreg s14  }
0xb3: {  	[dreg:$0x4] =	wrdreg s22  }
0xb4: {  	[dreg:$0x5] =	wrdreg $0x9  }
0xb5: {  	_ =	task.clear_ibuf [dreg:s6], $0x6FFFF;
	_ =	strace $0x90000046  }
0xb6: {  	s26 =	simm.s32 $0x9;
	_ =	strace $0x80000048  }
0xb7: {  	_ =	swait.ge [sflag:s26], $0x1  }
0xb8: {  	[sflag:s26] =	ssyncadd.s32 $0xFFFFFFFF  }
0xb9: {  	_ =	strace $0x90000048  }
0xba: {  	_ =	sfence  }
0xbb: {  	s28 =	sld [smem:$0x0];
	_ =	sdelay $0x1  }
0xbc: {  	s29 =	srdreg.scid  }
0xbd: {  	s30 =	sshll.u32 s29, $0xD;
	s31 =	sshrl.u32 s29, $0x2  }
0xbe: {  	s1 =	sand.u32 $0x1, s29;
	s2 =	sand.u32 $0x4000, s30;
	s0 =	sadd.s32 s31, s28  }
0xbf: {  	s1 =	sor.u32 s2, s1;
	s0 =	sshll.u32 s0, $0x11  }
0xc0: {  	s0 =	sor.u32 s0, s1  }
0xc1: {  	s0 =	sadd.s32 $0x8F2B, s0  }
0xc2: {  	[sflag:s0] =	ssyncadd.remote.s32 $0x1  }
0xc3: {  	_ =	sfence.sel $0xFFFF  }
0xc4: {  	[dreg:$0x0] =	wrdreg $0xFFFFFFFF;
	(pc) =	sbr.abs _section_cstart, $3  }
0xc5: {  	[dreg:$0x1] =	wrdreg $0xFFFFFFFF  }
0xc6: {  	_ =	task.clear_ibuf [dreg:s6], $0x2FFFF;
	_ =	strace $0x9FFFFFFF  }
0xc7: {  	(tm) =	ssettm $0x7FFFFFFF  }
tec
execute0_lowered:
.L_overlay_start_1:
0x0: {  	(tag) =	ssettag $0x1  }
0x1: {  	s6 =	rddreg [dreg:$0x0]  }
0x2: {  	s7 =	rddreg [dreg:$0x1];
	s1 =	stileid.u32  }
0x3: {  	s4 =	rddreg [dreg:$0x2];
	s2 =	sshrl.u32 s1, $0x2;
	s3 =	sshll.u32 s1, $0x8  }
0x4: {  	s0 =	rddreg [dreg:$0x3];
	s3 =	sand.u32 $0x300, s3;
	s8 =	sshll.u32 s2, $0xF  }
0x5: {  	s5 =	simm.s32 $0x0;
	s28 =	simm.s32 $0x100;
	s8 =	sor.u32 s3, s8  }
0x6: {  	s9 =	simm.s32 $0x400;
	[smem:$0x7FF] =	sst s5;
	s8 =	sshrl.u32 s8, $0x3  }
0x7: {  	s29 =	simm.s32 $0x1;
	_ =	strace $0x80000047;
	s8 =	sadd.s32 s6, s8  }
0x8: {  	[tilespmem:s5], [sflag:$0x1] =	stream.strided.gather [hbm4b:s8+s28], $0x2000, s9, s28, $0x38;
	[tilespmem:$0x3100] =	vst v63  }
0x9: {  	_ =	swait.ge [sflag:s29], $0x2000  }
0xa: {  	[sflag:s29] =	ssyncset.done $0x0  }
0xb: {  	s30 =	simm.s32 $0x2000;
	[sflag:s29] =	ssyncadd.s32 $0xFFFFE000  }
0xc: {  	[tilespmem:s30], [sflag:$0x1] =	stream.linear.gather [hbm4b:s7+s5], $0x1000, $0x38;
	[tilespmem:$0x3100] =	vst v63  }
0xd: {  	_ =	swait.ge [sflag:s29], $0x1000  }
0xe: {  	[sflag:s29] =	ssyncset.done $0x0  }
0xf: {  	[sflag:s29] =	ssyncadd.s32 $0xFFFFF000  }
0x10: {  	s31 =	simm.s32 $0x2080;
	v0 =	vld [tilespmem:s28+$0xFFFFFF00]  }
0x11: {  	v1 =	vld [tilespmem:s31+$0xFFFFFF80]  }
0x12: {  	v2 =	vld [tilespmem:s28+$0xFFFFFF10]  }
0x13: {  	v3 =	vld [tilespmem:s31+$0xFFFFFF90]  }
0x14: {  	v4 =	vld [tilespmem:s28+$0xFFFFFF20]  }
0x15: {  	v5 =	vld [tilespmem:s31+$0xFFFFFFA0]  }
0x16: {  	v6 =	vld [tilespmem:s28+$0xFFFFFF30];
	v0 =	vmul.f32 v1, v0  }
0x17: {  	v1 =	vld [tilespmem:s31+$0xFFFFFFB0]  }
0x18: {  	v7 =	vld [tilespmem:s28+$0xFFFFFF40];
	v2 =	vmul.f32 v3, v2;
	v0 =	vadd.f32 $0.0e+00, v0  }
0x19: {  	v3 =	vld [tilespmem:s31+$0xFFFFFFC0]  }
0x1a: {  	v8 =	vld [tilespmem:s28+$0xFFFFFF50];
	v0 =	vadd.f32 v2, v0;
	v2 =	vmul.f32 v5, v4  }
0x1b: {  	v4 =	vld [tilespmem:s31+$0xFFFFFFD0]  }
0x1c: {  	v5 =	vld [tilespmem:s28+$0xFFFFFF60];
	v1 =	vmul.f32 v1, v6;
	v0 =	vadd.f32 v2, v0  }
0x1d: {  	v2 =	vld [tilespmem:s31+$0xFFFFFFE0]  }
0x1e: {  	v6 =	vld [tilespmem:s28+$0xFFFFFF70];
	v0 =	vadd.f32 v1, v0;
	v1 =	vmul.f32 v3, v7  }
0x1f: {  	v3 =	vld [tilespmem:s31+$0xFFFFFFF0]  }
0x20: {  	v7 =	vld [tilespmem:s28+$0x0];
	v0 =	vadd.f32 v1, v0;
	v1 =	vmul.f32 v4, v8  }
0x21: {  	v4 =	vld [tilespmem:s31+$0x0]  }
0x22: {  	v8 =	vld [tilespmem:s28+$0x10];
	v0 =	vadd.f32 v1, v0;
	v1 =	vmul.f32 v2, v5  }
0x23: {  	v2 =	vld [tilespmem:s31+$0x10]  }
0x24: {  	v5 =	vld [tilespmem:s28+$0x20];
	v0 =	vadd.f32 v1, v0;
	v1 =	vmul.f32 v3, v6  }
0x25: {  	v3 =	vld [tilespmem:s31+$0x20]  }
0x26: {  	v6 =	vld [tilespmem:s28+$0x30];
	v0 =	vadd.f32 v1, v0;
	v1 =	vmul.f32 v4, v7  }
0x27: {  	v4 =	vld [tilespmem:s31+$0x30]  }
0x28: {  	v7 =	vld [tilespmem:s28+$0x40];
	v0 =	vadd.f32 v1, v0;
	v1 =	vmul.f32 v2, v8  }
0x29: {  	v8 =	vld [tilespmem:s31+$0x40]  }
0x2a: {  	v9 =	vld [tilespmem:s28+$0x50];
	v0 =	vadd.f32 v1, v0;
	v1 =	vmul.f32 v3, v5  }
0x2b: {  	v10 =	vld [tilespmem:s31+$0x50]  }
0x2c: {  	v2 =	vld [tilespmem:s28+$0x60];
	v0 =	vadd.f32 v1, v0;
	v1 =	vmul.f32 v4, v6  }
0x2d: {  	v4 =	vld [tilespmem:s31+$0x60]  }
0x2e: {  	v3 =	vld [tilespmem:s28+$0x70];
	v7 =	vmul.f32 v8, v7;
	v6 =	vadd.f32 v1, v0  }
0x2f: {  	s7 =	simm.s32 $0x300;
	v5 =	vld [tilespmem:s31+$0x70]  }
0x30: {  	s8 =	simm.s32 $0x2180;
	v8 =	vld [tilespmem:s7+$0xFFFFFF00];
	v6 =	vadd.f32 v7, v6;
	v7 =	vmul.f32 v10, v9  }
0x31: {  	s4 =	sadd.s32 $0xE00, s4;
	s6 =	simm.s32 $0x1;
	s9 =	simm.s32 $0x2;
	v0 =	vimm.f32 $0.0e+00;
	v1 =	vlaneseq.u32;
	v9 =	vld [tilespmem:s8+$0xFFFFFF80]  }
.LBB2_1:
0x32: {  	p0 =	sne.s32 s9, $0xF;
	v10 =	vld [tilespmem:s7+$0xFFFFFF10];
	v6 =	vadd.f32 v7, v6;
	v2 =	vmul.f32 v4, v2  }
0x33: {  	v4 =	vld [tilespmem:s8+$0xFFFFFF90]  }
0x34: {  	v7 =	vld [tilespmem:s7+$0xFFFFFF20];
	v2 =	vadd.f32 v2, v6;
	v3 =	vmul.f32 v5, v3  }
0x35: {  	v5 =	vld [tilespmem:s8+$0xFFFFFFA0]  }
0x36: {  	v6 =	vmul.f32 v9, v8;
	v8 =	vld [tilespmem:s7+$0xFFFFFF30];
	v2 =	vadd.f32 v3, v2  }
0x37: {  	v3 =	vld [tilespmem:s8+$0xFFFFFFB0]  }
0x38: {  	v6 =	vadd.f32 $0.0e+00, v6;
	v4 =	vmul.f32 v4, v10;
	v9 =	vld [tilespmem:s7+$0xFFFFFF40];
	(xrf2) =	vadd.scan.msk.f32 $0xffff, v2  }
0x39: {  	v2 =	vld [tilespmem:s8+$0xFFFFFFC0]  }
0x3a: {  	v4 =	vadd.f32 v4, v6;
	v5 =	vmul.f32 v5, v7;
	v6 =	vld [tilespmem:s7+$0xFFFFFF50]  }
0x3b: {  	v7 =	vld [tilespmem:s8+$0xFFFFFFD0]  }
0x3c: {  	v4 =	vadd.f32 v5, v4;
	v3 =	vmul.f32 v3, v8;
	v5 =	vld [tilespmem:s7+$0xFFFFFF60]  }
0x3d: {  	v8 =	vld [tilespmem:s8+$0xFFFFFFE0]  }
0x3e: {  	v3 =	vadd.f32 v3, v4;
	v2 =	vmul.f32 v2, v9;
	v4 =	vld [tilespmem:s7+$0xFFFFFF70]  }
0x3f: {  	v9 =	vld [tilespmem:s8+$0xFFFFFFF0]  }
0x40: {  	v2 =	vadd.f32 v2, v3;
	v3 =	vmul.f32 v7, v6;
	v6 =	vld [tilespmem:s7+$0x0]  }
0x41: {  	v7 =	vld [tilespmem:s8+$0x0]  }
0x42: {  	v2 =	vadd.f32 v3, v2;
	v3 =	vmul.f32 v8, v5;
	v5 =	vld [tilespmem:s7+$0x10];
	v8, _, _ =	vpop (xrf2)  }
0x43: {  	v11 =	vmov s5;
	s5 =	smov.u32 s6;
	s6 =	smov.u32 s9;
	v10 =	vld [tilespmem:s8+$0x10];
	v8 =	vbroadcast v8, $0xF  }
0x44: {  	vm0 =	veq.s32 v11, v1;
	v2 =	vadd.f32 v3, v2;
	v3 =	vmul.f32 v9, v4;
	v4 =	vld [tilespmem:s7+$0x20]  }
0x45: {  	v9 =	vld [tilespmem:s8+$0x20];
	v0 =	vsel vm0, v8, v0  }
0x46: {  	v2 =	vadd.f32 v3, v2;
	v3 =	vmul.f32 v7, v6;
	v6 =	vld [tilespmem:s7+$0x30]  }
0x47: {  	v7 =	vld [tilespmem:s8+$0x30]  }
0x48: {  	v2 =	vadd.f32 v3, v2;
	v3 =	vmul.f32 v10, v5;
	v5 =	vld [tilespmem:s7+$0x40]  }
0x49: {  	v8 =	vld [tilespmem:s8+$0x40]  }
0x4a: {  	v2 =	vadd.f32 v3, v2;
	v3 =	vmul.f32 v9, v4;
	v9 =	vld [tilespmem:s7+$0x50]  }
0x4b: {  	v10 =	vld [tilespmem:s8+$0x50]  }
0x4c: {  	v3 =	vadd.f32 v3, v2;
	v6 =	vmul.f32 v7, v6;
	v2 =	vld [tilespmem:s7+$0x60]  }
.Ltmp0:
0x4d: {  	v4 =	vld [tilespmem:s8+$0x60];
	(pc) =	sbr.rel @p0 .LBB2_1-.Ltmp0, $4  }
0x4e: {  	v6 =	vadd.f32 v6, v3;
	v7 =	vmul.f32 v8, v5;
	v3 =	vld [tilespmem:s7+$0x70]  }
0x4f: {  	s7 =	sadd.s32 $0x200, s7;
	v5 =	vld [tilespmem:s8+$0x70]  }
0x50: {  	s8 =	sadd.s32 $0x100, s8;
	v8 =	vld [tilespmem:s7+$0xFFFFFF00];
	v6 =	vadd.f32 v7, v6;
	v7 =	vmul.f32 v10, v9  }
0x51: {  	s9 =	sadd.s32 $0x1, s9;
	v9 =	vld [tilespmem:s8+$0xFFFFFF80]  }
0x52: {  	v10 =	vld [tilespmem:s7+$0xFFFFFF10]  }
0x53: {  	v11 =	vld [tilespmem:s8+$0xFFFFFF90]  }
0x54: {  	v12 =	vld [tilespmem:s7+$0xFFFFFF20]  }
0x55: {  	v13 =	vld [tilespmem:s8+$0xFFFFFFA0]  }
0x56: {  	v14 =	vld [tilespmem:s8+$0xFFFFFFB0];
	v8 =	vmul.f32 v9, v8  }
0x57: {  	v9 =	vld [tilespmem:s7+$0xFFFFFF30]  }
0x58: {  	v15 =	vld [tilespmem:s8+$0xFFFFFFC0];
	v10 =	vmul.f32 v11, v10;
	v8 =	vadd.f32 $0.0e+00, v8  }
0x59: {  	v11 =	vld [tilespmem:s7+$0xFFFFFF40]  }
0x5a: {  	v49 =	vld [tilespmem:s7+$0xFFFFFF50];
	v8 =	vadd.f32 v10, v8;
	v10 =	vmul.f32 v13, v12  }
0x5b: {  	v50 =	vld [tilespmem:s8+$0xFFFFFFD0]  }
0x5c: {  	v51 =	vld [tilespmem:s8+$0xFFFFFFE0];
	v9 =	vmul.f32 v14, v9;
	v8 =	vadd.f32 v10, v8  }
0x5d: {  	v10 =	vld [tilespmem:s7+$0xFFFFFF60]  }
0x5e: {  	v52 =	vld [tilespmem:s8+$0xFFFFFFF0];
	v8 =	vadd.f32 v9, v8;
	v9 =	vmul.f32 v15, v11  }
0x5f: {  	v11 =	vld [tilespmem:s7+$0xFFFFFF70]  }
0x60: {  	v53 =	vld [tilespmem:s7+$0x0];
	v8 =	vadd.f32 v9, v8;
	v9 =	vmul.f32 v50, v49  }
0x61: {  	v54 =	vld [tilespmem:s8+$0x0]  }
0x62: {  	v55 =	vld [tilespmem:s8+$0x10];
	v8 =	vadd.f32 v9, v8;
	v9 =	vmul.f32 v51, v10  }
0x63: {  	v10 =	vld [tilespmem:s7+$0x10]  }
0x64: {  	v56 =	vld [tilespmem:s8+$0x20];
	v8 =	vadd.f32 v9, v8;
	v9 =	vmul.f32 v52, v11  }
0x65: {  	v11 =	vld [tilespmem:s7+$0x20]  }
0x66: {  	v57 =	vld [tilespmem:s7+$0x30];
	v8 =	vadd.f32 v9, v8;
	v9 =	vmul.f32 v54, v53  }
0x67: {  	v58 =	vld [tilespmem:s8+$0x30]  }
0x68: {  	v59 =	vld [tilespmem:s8+$0x40];
	v8 =	vadd.f32 v9, v8;
	v9 =	vmul.f32 v55, v10  }
0x69: {  	v10 =	vld [tilespmem:s7+$0x40]  }
0x6a: {  	v60 =	vld [tilespmem:s8+$0x50];
	v8 =	vadd.f32 v9, v8;
	v9 =	vmul.f32 v56, v11  }
0x6b: {  	v11 =	vld [tilespmem:s7+$0x50]  }
0x6c: {  	v61 =	vld [tilespmem:s7+$0x60];
	v8 =	vadd.f32 v9, v8;
	v9 =	vmul.f32 v58, v57  }
0x6d: {  	v62 =	vld [tilespmem:s8+$0x60]  }
0x6e: {  	v63 =	vld [tilespmem:s8+$0x70];
	v8 =	vadd.f32 v9, v8;
	v9 =	vmul.f32 v59, v10  }
0x6f: {  	v10 =	vld [tilespmem:s7+$0x70]  }
0x70: {  	v8 =	vadd.f32 v9, v8;
	v9 =	vmul.f32 v60, v11  }
0x71: {  	v6 =	vadd.f32 v7, v6;
	v2 =	vmul.f32 v4, v2  }
0x72: {  	v7 =	vmul.f32 v62, v61;
	v4 =	vadd.f32 v9, v8  }
0x73: {  	v2 =	vadd.f32 v2, v6;
	v3 =	vmul.f32 v5, v3  }
0x74: {  	v5 =	vmul.f32 v63, v10;
	v4 =	vadd.f32 v7, v4  }
0x75: {  	v2 =	vadd.f32 v3, v2  }
0x76: {  	v3 =	vadd.f32 v5, v4  }
0x77: {  	(xrf2) =	vadd.scan.msk.f32 $0xffff, v2  }
0x78: {  	(xrf2) =	vadd.scan.msk.f32 $0xffff, v3;
	_ =	sdelay $0x8  }
0x79: {  	v2, _, _ =	vpop (xrf2)  }
0x7a: {  	v2 =	vbroadcast v2, $0xF;
	v3 =	vmov s5;
	v4, _, _ =	vpop (xrf2)  }
0x7b: {  	vm0 =	veq.s32 v3, v1;
	v3 =	vmov s6;
	v4 =	vbroadcast v4, $0xF  }
0x7c: {  	v0 =	vsel vm0, v2, v0;
	vm15 =	veq.s32 v3, v1  }
0x7d: {  	v0 =	vsel vm15, v4, v0  }
0x7e: {  	(xrf0) =	vmax.scan.msk.f32 $0xffff, v0;
	_ =	sdelay $0x5  }
0x7f: {  	v1, _, _ =	vpop (xrf0)  }
0x80: {  	v1 =	vbroadcast v1, $0xF;
	_ =	sdelay $0x1  }
0x81: {  	v0 =	vsub.f32 v0, v1;
	_ =	sdelay $0x1  }
0x82: {  	v0 =	vmul.f32 $1.442695020e+00, v0;
	_ =	sdelay $0x1  }
0x83: {  	(erf) = vpow2.f32 v0;
	_ =	sdelay $0x8  }
0x84: {  	v0 =	vpop (erf)  }
0x85: {  	(xrf2) =	vadd.scan.msk.f32 $0xffff, v0;
	_ =	sdelay $0x9  }
0x86: {  	v1, _, _ =	vpop (xrf2)  }
0x87: {  	v1 =	vbroadcast v1, $0xF;
	_ =	sdelay $0x1  }
0x88: {  	(erf) = vrcp.f32 v1;
	_ =	sdelay $0x8  }
0x89: {  	v1 =	vpop (erf)  }
0x8a: {  	v0 =	vmul.f32 v1, v0;
	_ =	sdelay $0x1  }
0x8b: {  	s30 =	simm.s32 $0x180;
	[tilespmem:$0x3000] =	vst v0  }
0x8c: {  	s31 =	simm.s32 $0x2080;
	v0 =	vld [tilespmem:s30+$0xFFFFFF00]  }
0x8d: {  	v1 =	vld [tilespmem:s31+$0xFFFFFF80]  }
0x8e: {  	v2 =	vld [tilespmem:s30+$0xFFFFFF10]  }
0x8f: {  	v3 =	vld [tilespmem:s31+$0xFFFFFF90]  }
0x90: {  	v4 =	vld [tilespmem:s30+$0xFFFFFF20]  }
0x91: {  	v5 =	vld [tilespmem:s31+$0xFFFFFFA0]  }
0x92: {  	v6 =	vld [tilespmem:s30+$0xFFFFFF30];
	v0 =	vmul.f32 v1, v0  }
0x93: {  	v1 =	vld [tilespmem:s31+$0xFFFFFFB0]  }
0x94: {  	v7 =	vld [tilespmem:s30+$0xFFFFFF40];
	v2 =	vmul.f32 v3, v2;
	v0 =	vadd.f32 $0.0e+00, v0  }
0x95: {  	v3 =	vld [tilespmem:s31+$0xFFFFFFC0]  }
0x96: {  	v8 =	vld [tilespmem:s30+$0xFFFFFF50];
	v0 =	vadd.f32 v2, v0;
	v2 =	vmul.f32 v5, v4  }
0x97: {  	v4 =	vld [tilespmem:s31+$0xFFFFFFD0]  }
0x98: {  	v5 =	vld [tilespmem:s30+$0xFFFFFF60];
	v1 =	vmul.f32 v1, v6;
	v0 =	vadd.f32 v2, v0  }
0x99: {  	v2 =	vld [tilespmem:s31+$0xFFFFFFE0]  }
0x9a: {  	v6 =	vld [tilespmem:s30+$0xFFFFFF70];
	v0 =	vadd.f32 v1, v0;
	v1 =	vmul.f32 v3, v7  }
0x9b: {  	v3 =	vld [tilespmem:s31+$0xFFFFFFF0]  }
0x9c: {  	v7 =	vld [tilespmem:s30+$0x0];
	v0 =	vadd.f32 v1, v0;
	v1 =	vmul.f32 v4, v8  }
0x9d: {  	v4 =	vld [tilespmem:s31+$0x0]  }
0x9e: {  	v8 =	vld [tilespmem:s30+$0x10];
	v0 =	vadd.f32 v1, v0;
	v1 =	vmul.f32 v2, v5  }
0x9f: {  	v2 =	vld [tilespmem:s31+$0x10]  }
0xa0: {  	v5 =	vld [tilespmem:s30+$0x20];
	v0 =	vadd.f32 v1, v0;
	v1 =	vmul.f32 v3, v6  }
0xa1: {  	v3 =	vld [tilespmem:s31+$0x20]  }
0xa2: {  	v6 =	vld [tilespmem:s30+$0x30];
	v0 =	vadd.f32 v1, v0;
	v1 =	vmul.f32 v4, v7  }
0xa3: {  	v4 =	vld [tilespmem:s31+$0x30]  }
0xa4: {  	v7 =	vld [tilespmem:s30+$0x40];
	v0 =	vadd.f32 v1, v0;
	v1 =	vmul.f32 v2, v8  }
0xa5: {  	v8 =	vld [tilespmem:s31+$0x40]  }
0xa6: {  	v9 =	vld [tilespmem:s30+$0x50];
	v0 =	vadd.f32 v1, v0;
	v1 =	vmul.f32 v3, v5  }
0xa7: {  	v10 =	vld [tilespmem:s31+$0x50]  }
0xa8: {  	v2 =	vld [tilespmem:s30+$0x60];
	v0 =	vadd.f32 v1, v0;
	v1 =	vmul.f32 v4, v6  }
0xa9: {  	v4 =	vld [tilespmem:s31+$0x60]  }
0xaa: {  	v3 =	vld [tilespmem:s30+$0x70];
	v7 =	vmul.f32 v8, v7;
	v6 =	vadd.f32 v1, v0  }
0xab: {  	s7 =	simm.s32 $0x380;
	v5 =	vld [tilespmem:s31+$0x70]  }
0xac: {  	s8 =	simm.s32 $0x2180;
	v8 =	vld [tilespmem:s7+$0xFFFFFF00];
	v6 =	vadd.f32 v7, v6;
	v7 =	vmul.f32 v10, v9  }
0xad: {  	s9 =	simm.s32 $0x2;
	s5 =	simm.s32 $0x1;
	s6 =	simm.s32 $0x0;
	v0 =	vimm.f32 $0.0e+00;
	v1 =	vlaneseq.u32;
	v9 =	vld [tilespmem:s8+$0xFFFFFF80]  }
.LBB2_3:
0xae: {  	p0 =	sne.s32 s9, $0xF;
	v10 =	vld [tilespmem:s7+$0xFFFFFF10];
	v6 =	vadd.f32 v7, v6;
	v2 =	vmul.f32 v4, v2  }
0xaf: {  	v4 =	vld [tilespmem:s8+$0xFFFFFF90]  }
0xb0: {  	v7 =	vld [tilespmem:s7+$0xFFFFFF20];
	v2 =	vadd.f32 v2, v6;
	v3 =	vmul.f32 v5, v3  }
0xb1: {  	v5 =	vld [tilespmem:s8+$0xFFFFFFA0]  }
0xb2: {  	v6 =	vmul.f32 v9, v8;
	v8 =	vld [tilespmem:s7+$0xFFFFFF30];
	v2 =	vadd.f32 v3, v2  }
0xb3: {  	v3 =	vld [tilespmem:s8+$0xFFFFFFB0]  }
0xb4: {  	v6 =	vadd.f32 $0.0e+00, v6;
	v4 =	vmul.f32 v4, v10;
	v9 =	vld [tilespmem:s7+$0xFFFFFF40];
	(xrf2) =	vadd.scan.msk.f32 $0xffff, v2  }
0xb5: {  	v2 =	vld [tilespmem:s8+$0xFFFFFFC0]  }
0xb6: {  	v4 =	vadd.f32 v4, v6;
	v5 =	vmul.f32 v5, v7;
	v6 =	vld [tilespmem:s7+$0xFFFFFF50]  }
0xb7: {  	v7 =	vld [tilespmem:s8+$0xFFFFFFD0]  }
0xb8: {  	v4 =	vadd.f32 v5, v4;
	v3 =	vmul.f32 v3, v8;
	v5 =	vld [tilespmem:s7+$0xFFFFFF60]  }
0xb9: {  	v8 =	vld [tilespmem:s8+$0xFFFFFFE0]  }
0xba: {  	v3 =	vadd.f32 v3, v4;
	v2 =	vmul.f32 v2, v9;
	v4 =	vld [tilespmem:s7+$0xFFFFFF70]  }
0xbb: {  	v9 =	vld [tilespmem:s8+$0xFFFFFFF0]  }
0xbc: {  	v2 =	vadd.f32 v2, v3;
	v3 =	vmul.f32 v7, v6;
	v6 =	vld [tilespmem:s7+$0x0]  }
0xbd: {  	v7 =	vld [tilespmem:s8+$0x0]  }
0xbe: {  	v2 =	vadd.f32 v3, v2;
	v3 =	vmul.f32 v8, v5;
	v5 =	vld [tilespmem:s7+$0x10];
	v8, _, _ =	vpop (xrf2)  }
0xbf: {  	v11 =	vmov s6;
	s6 =	smov.u32 s5;
	s5 =	smov.u32 s9;
	v10 =	vld [tilespmem:s8+$0x10];
	v8 =	vbroadcast v8, $0xF  }
0xc0: {  	vm0 =	veq.s32 v11, v1;
	v2 =	vadd.f32 v3, v2;
	v3 =	vmul.f32 v9, v4;
	v4 =	vld [tilespmem:s7+$0x20]  }
0xc1: {  	v9 =	vld [tilespmem:s8+$0x20];
	v0 =	vsel vm0, v8, v0  }
0xc2: {  	v2 =	vadd.f32 v3, v2;
	v3 =	vmul.f32 v7, v6;
	v6 =	vld [tilespmem:s7+$0x30]  }
0xc3: {  	v7 =	vld [tilespmem:s8+$0x30]  }
0xc4: {  	v2 =	vadd.f32 v3, v2;
	v3 =	vmul.f32 v10, v5;
	v5 =	vld [tilespmem:s7+$0x40]  }
0xc5: {  	v8 =	vld [tilespmem:s8+$0x40]  }
0xc6: {  	v2 =	vadd.f32 v3, v2;
	v3 =	vmul.f32 v9, v4;
	v9 =	vld [tilespmem:s7+$0x50]  }
0xc7: {  	v10 =	vld [tilespmem:s8+$0x50]  }
0xc8: {  	v3 =	vadd.f32 v3, v2;
	v6 =	vmul.f32 v7, v6;
	v2 =	vld [tilespmem:s7+$0x60]  }
.Ltmp1:
0xc9: {  	v4 =	vld [tilespmem:s8+$0x60];
	(pc) =	sbr.rel @p0 .LBB2_3-.Ltmp1, $4  }
0xca: {  	v6 =	vadd.f32 v6, v3;
	v7 =	vmul.f32 v8, v5;
	v3 =	vld [tilespmem:s7+$0x70]  }
0xcb: {  	s7 =	sadd.s32 $0x200, s7;
	v5 =	vld [tilespmem:s8+$0x70]  }
0xcc: {  	s8 =	sadd.s32 $0x100, s8;
	v8 =	vld [tilespmem:s7+$0xFFFFFF00];
	v6 =	vadd.f32 v7, v6;
	v7 =	vmul.f32 v10, v9  }
0xcd: {  	s9 =	sadd.s32 $0x1, s9;
	v9 =	vld [tilespmem:s8+$0xFFFFFF80]  }
0xce: {  	v10 =	vld [tilespmem:s7+$0xFFFFFF10]  }
0xcf: {  	v11 =	vld [tilespmem:s8+$0xFFFFFF90]  }
0xd0: {  	v12 =	vld [tilespmem:s7+$0xFFFFFF20]  }
0xd1: {  	v13 =	vld [tilespmem:s8+$0xFFFFFFA0]  }
0xd2: {  	v20 =	vld [tilespmem:s7+$0xFFFFFF30];
	v8 =	vmul.f32 v9, v8  }
0xd3: {  	v14 =	vld [tilespmem:s8+$0xFFFFFFB0]  }
0xd4: {  	v21 =	vld [tilespmem:s7+$0xFFFFFF40];
	v10 =	vmul.f32 v11, v10;
	v8 =	vadd.f32 $0.0e+00, v8  }
0xd5: {  	v15 =	vld [tilespmem:s8+$0xFFFFFFC0]  }
0xd6: {  	v23 =	vld [tilespmem:s7+$0xFFFFFF50];
	v22 =	vmul.f32 v13, v12;
	v8 =	vadd.f32 v10, v8  }
0xd7: {  	v24 =	vld [tilespmem:s8+$0xFFFFFFD0]  }
0xd8: {  	v25 =	vld [tilespmem:s7+$0xFFFFFF60];
	v9 =	vmul.f32 v14, v20;
	v8 =	vadd.f32 v22, v8  }
0xd9: {  	v26 =	vld [tilespmem:s8+$0xFFFFFFE0]  }
0xda: {  	v28 =	vld [tilespmem:s7+$0xFFFFFF70];
	v27 =	vmul.f32 v15, v21;
	v8 =	vadd.f32 v9, v8  }
0xdb: {  	v29 =	vld [tilespmem:s8+$0xFFFFFFF0]  }
0xdc: {  	v31 =	vld [tilespmem:s7+$0x0];
	v30 =	vmul.f32 v24, v23;
	v8 =	vadd.f32 v27, v8  }
0xdd: {  	v32 =	vld [tilespmem:s8+$0x0]  }
0xde: {  	v34 =	vld [tilespmem:s7+$0x10];
	v33 =	vmul.f32 v26, v25;
	v8 =	vadd.f32 v30, v8  }
0xdf: {  	v35 =	vld [tilespmem:s8+$0x10]  }
0xe0: {  	v37 =	vld [tilespmem:s7+$0x20];
	v36 =	vmul.f32 v29, v28;
	v8 =	vadd.f32 v33, v8  }
0xe1: {  	v38 =	vld [tilespmem:s8+$0x20]  }
0xe2: {  	v40 =	vld [tilespmem:s7+$0x30];
	v39 =	vmul.f32 v32, v31;
	v8 =	vadd.f32 v36, v8  }
0xe3: {  	v41 =	vld [tilespmem:s8+$0x30]  }
0xe4: {  	v43 =	vld [tilespmem:s7+$0x40];
	v42 =	vmul.f32 v35, v34;
	v8 =	vadd.f32 v39, v8  }
0xe5: {  	v44 =	vld [tilespmem:s8+$0x40]  }
0xe6: {  	v46 =	vld [tilespmem:s7+$0x50];
	v45 =	vmul.f32 v38, v37;
	v8 =	vadd.f32 v42, v8  }
0xe7: {  	v47 =	vld [tilespmem:s8+$0x50]  }
0xe8: {  	v49 =	vld [tilespmem:s7+$0x60];
	v48 =	vmul.f32 v41, v40;
	v8 =	vadd.f32 v45, v8  }
0xe9: {  	v50 =	vld [tilespmem:s8+$0x60]  }
0xea: {  	v52 =	vld [tilespmem:s7+$0x70];
	v51 =	vmul.f32 v44, v43;
	v8 =	vadd.f32 v48, v8  }
0xeb: {  	v53 =	vld [tilespmem:s8+$0x70]  }
0xec: {  	v54 =	vmul.f32 v47, v46;
	v8 =	vadd.f32 v51, v8  }
0xed: {  	v6 =	vadd.f32 v7, v6;
	v2 =	vmul.f32 v4, v2  }
0xee: {  	v56 =	vmul.f32 v50, v49;
	v55 =	vadd.f32 v54, v8  }
0xef: {  	v2 =	vadd.f32 v2, v6;
	v3 =	vmul.f32 v5, v3  }
0xf0: {  	v57 =	vmul.f32 v53, v52;
	v4 =	vadd.f32 v56, v55  }
0xf1: {  	v2 =	vadd.f32 v3, v2  }
0xf2: {  	v58 =	vadd.f32 v57, v4  }
0xf3: {  	(xrf2) =	vadd.scan.msk.f32 $0xffff, v2  }
0xf4: {  	(xrf2) =	vadd.scan.msk.f32 $0xffff, v58;
	_ =	sdelay $0x8  }
0xf5: {  	v2, _, _ =	vpop (xrf2)  }
0xf6: {  	v59 =	vmov s6;
	v2 =	vbroadcast v2, $0xF;
	v60, _, _ =	vpop (xrf2)  }
0xf7: {  	v61 =	vmov s5;
	vm0 =	veq.s32 v59, v1;
	v4 =	vbroadcast v60, $0xF  }
0xf8: {  	vm15 =	veq.s32 v61, v1;
	v0 =	vsel vm0, v2, v0  }
0xf9: {  	v0 =	vsel vm15, v4, v0  }
0xfa: {  	(xrf0) =	vmax.scan.msk.f32 $0xffff, v0;
	_ =	sdelay $0x5  }
0xfb: {  	v62, _, _ =	vpop (xrf0)  }
0xfc: {  	v1 =	vbroadcast v62, $0xF;
	_ =	sdelay $0x1  }
0xfd: {  	v0 =	vsub.f32 v0, v1;
	_ =	sdelay $0x1  }
0xfe: {  	v0 =	vmul.f32 $1.442695020e+00, v0;
	_ =	sdelay $0x1  }
0xff: {  	(erf) = vpow2.f32 v0;
	_ =	sdelay $0x8  }
0x100: {  	v0 =	vpop (erf)  }
0x101: {  	(xrf2) =	vadd.scan.msk.f32 $0xffff, v0;
	_ =	sdelay $0x9  }
0x102: {  	v63, _, _ =	vpop (xrf2)  }
0x103: {  	v1 =	vbroadcast v63, $0xF;
	_ =	sdelay $0x1  }
0x104: {  	(erf) = vrcp.f32 v1;
	_ =	sdelay $0x8  }
0x105: {  	s2 =	sshll.u32 s2, $0xA;
	v1 =	vpop (erf)  }
0x106: {  	s2 =	sor.u32 s3, s2;
	v0 =	vmul.f32 v1, v0  }
0x107: {  	s29 =	simm.s32 $0x0;
	s2 =	sshrl.u32 s2, $0x3  }
0x108: {  	s30 =	simm.s32 $0x3000;
	s31 =	simm.s32 $0x1;
	s2 =	sadd.s32 s4, s2;
	[tilespmem:$0x3080] =	vst v0  }
0x109: {  	[hbm4b:s2+s29] =	stream.linear.scatter [tilespmem:s30], [sflag:$0x1], $0x100, $0x38;
	[tilespmem:$0x3100] =	vst v63  }
0x10a: {  	_ =	swait.ge [sflag:s31], $0x100  }
0x10b: {  	[sflag:s31] =	ssyncset.done $0x0  }
0x10c: {  	[sflag:s31] =	ssyncadd.s32 $0xFFFFFF00  }
0x10d: {  	_ =	sfence.sel $0x180000  }
0x10e: {  	[bflag:$0x0] =	sbarrier.arrive $0xFFFF  }
0x10f: {  	p0 =	sne.s32 s1, $0x0;
	_ =	strace $0x90000047  }
0x110: {  	s0 =	sadd.s32 @!p0 $0x100000, s0;
	[bflag:$0x2] =	sbarrier.arrive $0xFFFF  }
0x111: {  	[sflag:s0] =	ssyncadd.tile.s32 @!p0 $0x1;
	_ =	shalt  }
.Lfunc_end2:
_tile_overlayer_lowered:
.L_overlay_start_2:
0x112: {  	(tag) =	ssettag $0x2  }
0x113: {  	s0 =	rddreg [dreg:$0x0];
	s2 =	stileid.u32  }
0x114: {  	s1 =	rddreg [dreg:$0x1];
	p0 =	sne.s32 s2, $0x0  }
0x115: {  	s3 =	rddreg [dreg:$0x2];
	[bflag:$0x3] =	sbarrier.arrive $0xFFFF;
	s2 =	simm.s32 @!p0 $0x1C01  }
0x116: {  	[timem:s3], [sflag:s2] =	dma.local @!p0 [hbm:s0], s1  }
0x117: {  	s0 =	simm.s32 @!p0 $0x1  }
0x118: {  	_ =	swait.ge @!p0 [sflag:s0], s1  }
0x119: {  	s1 =	ssub.s32 @!p0 $0x0, s1;
	[sflag:s0] =	ssyncset.done @!p0 $0x0  }
0x11a: {  	[sflag:s0] =	ssyncadd.s32 @!p0 s1  }
0x11b: {  	[bflag:$0x3] =	sbarrier.arrive $0xFFFF  }
0x11c: {  	_ =	shalt  }

</sc_bundles>
